<compile_context>
chip_gen: v7x
topology: tpu7x:2x2x1
jax: 0.10.2.dev20260603
libtpu: 0.0.44.dev20260713+nightly
codegen_flags: <defaults>
</compile_context>

<pallas_src>
import functools

import jax
import jax.numpy as jnp
from jax import lax
from jax.experimental import pallas as pl
from jax.experimental.pallas import tpu as pltpu
from jax.experimental.pallas import tpu_sc as plsc

EMBED_DIM = 128
NUM_CORES = 2
NUM_SUBCORES = 16
NW = NUM_CORES * NUM_SUBCORES

CHUNK = 128
NBUF = 5


def _embed_gather(table, ids):
    B = ids.shape[0]
    rows_per_w = B // NW
    nchunk = rows_per_w // CHUNK

    mesh = plsc.VectorSubcoreMesh(core_axis_name="c", subcore_axis_name="s")

    @functools.partial(
        pl.kernel,
        mesh=mesh,
        out_type=jax.ShapeDtypeStruct((B, EMBED_DIM), jnp.float32),
        scratch_types=[
            pltpu.VMEM((NBUF, CHUNK), jnp.int32),
            pltpu.VMEM((NBUF, CHUNK, EMBED_DIM), jnp.float32),
        ]
        + [pltpu.SemaphoreType.DMA] * (3 * NBUF),
    )
    def k(table_hbm, ids_hbm, out_hbm, idx_v, rows_v, *sems):
        gsem = list(sems[0:NBUF])
        ssem = list(sems[NBUF : 2 * NBUF])
        isem = list(sems[2 * NBUF : 3 * NBUF])
        wid = lax.axis_index("s") * NUM_CORES + lax.axis_index("c")
        base = wid * rows_per_w

        def idx_load(c, slot):
            pltpu.async_copy(
                ids_hbm.at[pl.ds(base + c * CHUNK, CHUNK)],
                idx_v.at[slot], isem[slot],
            )

        def idx_wait(c, slot):
            pltpu.make_async_copy(
                ids_hbm.at[pl.ds(base + c * CHUNK, CHUNK)],
                idx_v.at[slot], isem[slot],
            ).wait()

        def gather_start(slot):
            pltpu.async_copy(
                table_hbm.at[idx_v.at[slot]], rows_v.at[slot], gsem[slot]
            )

        def gather_wait(slot):
            pltpu.make_async_copy(
                table_hbm.at[idx_v.at[slot]], rows_v.at[slot], gsem[slot]
            ).wait()

        def store_start(c, slot):
            pltpu.async_copy(
                rows_v.at[slot],
                out_hbm.at[pl.ds(base + c * CHUNK, CHUNK)], ssem[slot],
            )

        def store_wait(c, slot):
            pltpu.make_async_copy(
                rows_v.at[slot],
                out_hbm.at[pl.ds(base + c * CHUNK, CHUNK)], ssem[slot],
            ).wait()

        idx_load(0, 0)
        idx_load(1, 1)
        for c in range(NBUF):
            idx_wait(c, c)
            gather_start(c)
            if c >= 3:
                gather_wait(c - 3)
                store_start(c - 3, c - 3)
            idx_load(c + 2, (c + 2) % NBUF)

        def body(g, carry):
            for b in range(NBUF):
                c = NBUF * g + b
                store_wait(c - NBUF, b)
                idx_wait(c, b)
                gather_start(b)
                prev3 = (b - 3) % NBUF
                gather_wait(prev3)
                store_start(c - 3, prev3)

                @pl.when(c + 2 < nchunk)
                def _(c=c, b=b):
                    idx_load(c + 2, (b + 2) % NBUF)

            return carry

        lax.fori_loop(1, nchunk // NBUF, body, 0)

        for c in range(nchunk - 3, nchunk):
            gather_wait(c % NBUF)
            store_start(c, c % NBUF)
        for c in range(nchunk - NBUF, nchunk):
            store_wait(c, c % NBUF)

    return k(table, ids)


def kernel(input_ids, table):
    batch, seq = input_ids.shape
    ids = input_ids.reshape(-1)
    out = _embed_gather(table, ids)
    return out.reshape(batch, seq, EMBED_DIM)

# --- scband reference (transcript-rebuilt; emitter-appended) ---
"""Pipeline reference for scband-funasr-nano-decoder-embed-5909874999399 (READ-ONLY COPY).

The authoritative reference and input builder live on the scoring server;
editing this copy changes nothing except your own understanding.
"""

import jax, jax.numpy as jnp
import numpy as np

NUM_EMBEDDINGS = 1000000
EMBED_DIM = 128
BATCH = 4096
SEQ = 200


def setup_inputs(seed: int = 0) -> dict:
    key = jax.random.key(seed)
    k1, k2 = jax.random.split(key)
    input_ids = jax.random.randint(k1, (BATCH, SEQ), 0, NUM_EMBEDDINGS, dtype=jnp.int32)
    # Learned embedding table, cast to float32 as in the original module (.float())
    table = jax.random.normal(k2, (NUM_EMBEDDINGS, EMBED_DIM), dtype=jnp.float32) * 0.02
    return {"input_ids": input_ids, "table": table}


def reference(input_ids, table):
    # torch.nn.Embedding forward == row gather from the table
    return jnp.take(table, input_ids, axis=0)

if __name__ == "__main__":
    import jax
    _d = setup_inputs()
    print(jax.jit(kernel)(*tuple(_d.values())))

</pallas_src>

<mosaic_0001>
#map = affine_map<(d0, d1) -> (0, 0)>
#map1 = affine_map<(d0, d1) -> (0)>
module attributes {stable_mosaic.version = 14 : i64} {
  func.func @k(%arg0: i32, %arg1: i32, %arg2: memref<1000000x128xf32, #tpu.memory_space<hbm>>, %arg3: memref<819200xi32, #tpu.memory_space<hbm>>, %arg4: memref<819200x128xf32, #tpu.memory_space<hbm>>, %arg5: memref<5x128xi32, #tpu.memory_space<vmem>>, %arg6: memref<5x128x128xf32, #tpu.memory_space<vmem>>, %arg7: memref<!tpu.dma_semaphore, #tpu.memory_space<semaphore_mem>>, %arg8: memref<!tpu.dma_semaphore, #tpu.memory_space<semaphore_mem>>, %arg9: memref<!tpu.dma_semaphore, #tpu.memory_space<semaphore_mem>>, %arg10: memref<!tpu.dma_semaphore, #tpu.memory_space<semaphore_mem>>, %arg11: memref<!tpu.dma_semaphore, #tpu.memory_space<semaphore_mem>>, %arg12: memref<!tpu.dma_semaphore, #tpu.memory_space<semaphore_mem>>, %arg13: memref<!tpu.dma_semaphore, #tpu.memory_space<semaphore_mem>>, %arg14: memref<!tpu.dma_semaphore, #tpu.memory_space<semaphore_mem>>, %arg15: memref<!tpu.dma_semaphore, #tpu.memory_space<semaphore_mem>>, %arg16: memref<!tpu.dma_semaphore, #tpu.memory_space<semaphore_mem>>, %arg17: memref<!tpu.dma_semaphore, #tpu.memory_space<semaphore_mem>>, %arg18: memref<!tpu.dma_semaphore, #tpu.memory_space<semaphore_mem>>, %arg19: memref<!tpu.dma_semaphore, #tpu.memory_space<semaphore_mem>>, %arg20: memref<!tpu.dma_semaphore, #tpu.memory_space<semaphore_mem>>, %arg21: memref<!tpu.dma_semaphore, #tpu.memory_space<semaphore_mem>>) attributes {dimension_semantics = [#tpu.dimension_semantics<core_parallel>, #tpu.dimension_semantics<subcore_parallel>], iteration_bounds = array<i64: 2, 16>, scalar_prefetch = 0 : i64, scratch_operands = 17 : i64, tpu.core_type = #tpu.core_type<sc_vector_subcore>, window_params = [{transform_indices = #map}, {transform_indices = #map1}, {transform_indices = #map}]} {
    %mul3A = arith.constant 2 : i32
    %mul3A_0 = arith.muli %arg1, %mul3A : i32
    %add3A = arith.addi %mul3A_0, %arg0 : i32
    %mul3A_1 = arith.constant 25600 : i32
    %mul3A_2 = arith.muli %add3A, %mul3A_1 : i32
    %add3A_3 = arith.constant 0 : i32
    %add3A_4 = arith.addi %mul3A_2, %add3A_3 : i32
    %dma_start3A = arith.constant 0 : i32
    %dma_start3A_5 = arith.constant 0 : i32
    %dma_start3A_6 = tpu.memref_slice %arg5[%dma_start3A, %dma_start3A_5] : memref<5x128xi32, #tpu.memory_space<vmem>> -> memref<1x128xi32, #tpu.memory_space<vmem>>
    %dma_start3A_7 = tpu.memref_squeeze %dma_start3A_6 : memref<1x128xi32, #tpu.memory_space<vmem>> -> memref<128xi32, #tpu.memory_space<vmem>>
    %dma_start3A_8 = tpu.memref_slice %arg3[%add3A_4] : memref<819200xi32, #tpu.memory_space<hbm>> -> memref<128xi32, #tpu.memory_space<hbm>>
    %dma_start3A_9 = arith.constant 0 : i32
    %dma_start3A_10 = tpu.memref_slice %arg5[%dma_start3A, %dma_start3A_9] : memref<5x128xi32, #tpu.memory_space<vmem>> -> memref<1x128xi32, #tpu.memory_space<vmem>>
    %dma_start3A_11 = tpu.memref_squeeze %dma_start3A_10 : memref<1x128xi32, #tpu.memory_space<vmem>> -> memref<128xi32, #tpu.memory_space<vmem>>
    %dma_start3A_12 = tpu.memref_slice %arg3[%add3A_4] : memref<819200xi32, #tpu.memory_space<hbm>> -> memref<128xi32, #tpu.memory_space<hbm>>
    tpu.enqueue_dma source(%dma_start3A_12 : memref<128xi32, #tpu.memory_space<hbm>>) target(%dma_start3A_11 : memref<128xi32, #tpu.memory_space<vmem>>) target_semaphore(%arg17 : memref<!tpu.dma_semaphore, #tpu.memory_space<semaphore_mem>>)
    %add3A_13 = arith.constant 128 : i32
    %add3A_14 = arith.addi %mul3A_2, %add3A_13 : i32
    %dma_start3A_15 = arith.constant 1 : i32
    %dma_start3A_16 = arith.constant 0 : i32
    %dma_start3A_17 = tpu.memref_slice %arg5[%dma_start3A_15, %dma_start3A_16] : memref<5x128xi32, #tpu.memory_space<vmem>> -> memref<1x128xi32, #tpu.memory_space<vmem>>
    %dma_start3A_18 = tpu.memref_squeeze %dma_start3A_17 : memref<1x128xi32, #tpu.memory_space<vmem>> -> memref<128xi32, #tpu.memory_space<vmem>>
    %dma_start3A_19 = tpu.memref_slice %arg3[%add3A_14] : memref<819200xi32, #tpu.memory_space<hbm>> -> memref<128xi32, #tpu.memory_space<hbm>>
    %dma_start3A_20 = arith.constant 0 : i32
    %dma_start3A_21 = tpu.memref_slice %arg5[%dma_start3A_15, %dma_start3A_20] : memref<5x128xi32, #tpu.memory_space<vmem>> -> memref<1x128xi32, #tpu.memory_space<vmem>>
    %dma_start3A_22 = tpu.memref_squeeze %dma_start3A_21 : memref<1x128xi32, #tpu.memory_space<vmem>> -> memref<128xi32, #tpu.memory_space<vmem>>
    %dma_start3A_23 = tpu.memref_slice %arg3[%add3A_14] : memref<819200xi32, #tpu.memory_space<hbm>> -> memref<128xi32, #tpu.memory_space<hbm>>
    tpu.enqueue_dma source(%dma_start3A_23 : memref<128xi32, #tpu.memory_space<hbm>>) target(%dma_start3A_22 : memref<128xi32, #tpu.memory_space<vmem>>) target_semaphore(%arg18 : memref<!tpu.dma_semaphore, #tpu.memory_space<semaphore_mem>>)
    %add3A_24 = arith.constant 0 : i32
    %add3A_25 = arith.addi %mul3A_2, %add3A_24 : i32
    %dma_wait3A = arith.constant 0 : i32
    %dma_wait3A_26 = arith.constant 0 : i32
    %dma_wait3A_27 = tpu.memref_slice %arg5[%dma_wait3A, %dma_wait3A_26] : memref<5x128xi32, #tpu.memory_space<vmem>> -> memref<1x128xi32, #tpu.memory_space<vmem>>
    %dma_wait3A_28 = tpu.memref_squeeze %dma_wait3A_27 : memref<1x128xi32, #tpu.memory_space<vmem>> -> memref<128xi32, #tpu.memory_space<vmem>>
    %dma_wait3A_29 = tpu.memref_slice %arg3[%add3A_25] : memref<819200xi32, #tpu.memory_space<hbm>> -> memref<128xi32, #tpu.memory_space<hbm>>
    %dma_wait3A_30 = arith.constant 0 : i32
    %dma_wait3A_31 = tpu.memref_slice %arg5[%dma_wait3A, %dma_wait3A_30] : memref<5x128xi32, #tpu.memory_space<vmem>> -> memref<1x128xi32, #tpu.memory_space<vmem>>
    %dma_wait3A_32 = tpu.memref_squeeze %dma_wait3A_31 : memref<1x128xi32, #tpu.memory_space<vmem>> -> memref<128xi32, #tpu.memory_space<vmem>>
    %dma_wait3A_33 = tpu.memref_slice %arg3[%add3A_25] : memref<819200xi32, #tpu.memory_space<hbm>> -> memref<128xi32, #tpu.memory_space<hbm>>
    tpu.wait_dma2 semaphore(%arg17 : memref<!tpu.dma_semaphore, #tpu.memory_space<semaphore_mem>>) src(%dma_wait3A_33 : memref<128xi32, #tpu.memory_space<hbm>>) dst(%dma_wait3A_32 : memref<128xi32, #tpu.memory_space<vmem>>)
    %dma_start3A_34 = arith.constant 0 : i32
    %dma_start3A_35 = arith.constant 0 : i32
    %dma_start3A_36 = arith.constant 0 : i32
    %dma_start3A_37 = arith.constant 0 : i32
    %dma_start3A_38 = tpu.memref_slice %arg6[%dma_start3A_35, %dma_start3A_36, %dma_start3A_37] : memref<5x128x128xf32, #tpu.memory_space<vmem>> -> memref<1x128x128xf32, #tpu.memory_space<vmem>>
    %dma_start3A_39 = tpu.memref_squeeze %dma_start3A_38 : memref<1x128x128xf32, #tpu.memory_space<vmem>> -> memref<128x128xf32, #tpu.memory_space<vmem>>
    %dma_start3A_40 = arith.constant 0 : i32
    %dma_start3A_41 = tpu.memref_slice %arg5[%dma_start3A_34, %dma_start3A_40] : memref<5x128xi32, #tpu.memory_space<vmem>> -> memref<1x128xi32, #tpu.memory_space<vmem>>
    %dma_start3A_42 = tpu.memref_squeeze %dma_start3A_41 : memref<1x128xi32, #tpu.memory_space<vmem>> -> memref<128xi32, #tpu.memory_space<vmem>>
    %dma_start3A_43 = arith.constant 0 : i32
    %dma_start3A_44 = arith.constant 0 : i32
    %dma_start3A_45 = tpu.memref_slice %arg2[%dma_start3A_43, %dma_start3A_44] : memref<1000000x128xf32, #tpu.memory_space<hbm>> -> memref<1000000x128xf32, #tpu.memory_space<hbm>>
    tpu.enqueue_indirect_dma source(%dma_start3A_45 : memref<1000000x128xf32, #tpu.memory_space<hbm>>) target(%dma_start3A_39 : memref<128x128xf32, #tpu.memory_space<vmem>>) offsets(%dma_start3A_42 : memref<128xi32, #tpu.memory_space<vmem>>) semaphore(%arg7 : memref<!tpu.dma_semaphore, #tpu.memory_space<semaphore_mem>>)
    %add3A_46 = arith.constant 256 : i32
    %add3A_47 = arith.addi %mul3A_2, %add3A_46 : i32
    %dma_start3A_48 = arith.constant 2 : i32
    %dma_start3A_49 = arith.constant 0 : i32
    %dma_start3A_50 = tpu.memref_slice %arg5[%dma_start3A_48, %dma_start3A_49] : memref<5x128xi32, #tpu.memory_space<vmem>> -> memref<1x128xi32, #tpu.memory_space<vmem>>
    %dma_start3A_51 = tpu.memref_squeeze %dma_start3A_50 : memref<1x128xi32, #tpu.memory_space<vmem>> -> memref<128xi32, #tpu.memory_space<vmem>>
    %dma_start3A_52 = tpu.memref_slice %arg3[%add3A_47] : memref<819200xi32, #tpu.memory_space<hbm>> -> memref<128xi32, #tpu.memory_space<hbm>>
    %dma_start3A_53 = arith.constant 0 : i32
    %dma_start3A_54 = tpu.memref_slice %arg5[%dma_start3A_48, %dma_start3A_53] : memref<5x128xi32, #tpu.memory_space<vmem>> -> memref<1x128xi32, #tpu.memory_space<vmem>>
    %dma_start3A_55 = tpu.memref_squeeze %dma_start3A_54 : memref<1x128xi32, #tpu.memory_space<vmem>> -> memref<128xi32, #tpu.memory_space<vmem>>
    %dma_start3A_56 = tpu.memref_slice %arg3[%add3A_47] : memref<819200xi32, #tpu.memory_space<hbm>> -> memref<128xi32, #tpu.memory_space<hbm>>
    tpu.enqueue_dma source(%dma_start3A_56 : memref<128xi32, #tpu.memory_space<hbm>>) target(%dma_start3A_55 : memref<128xi32, #tpu.memory_space<vmem>>) target_semaphore(%arg19 : memref<!tpu.dma_semaphore, #tpu.memory_space<semaphore_mem>>)
    %add3A_57 = arith.constant 128 : i32
    %add3A_58 = arith.addi %mul3A_2, %add3A_57 : i32
    %dma_wait3A_59 = arith.constant 1 : i32
    %dma_wait3A_60 = arith.constant 0 : i32
    %dma_wait3A_61 = tpu.memref_slice %arg5[%dma_wait3A_59, %dma_wait3A_60] : memref<5x128xi32, #tpu.memory_space<vmem>> -> memref<1x128xi32, #tpu.memory_space<vmem>>
    %dma_wait3A_62 = tpu.memref_squeeze %dma_wait3A_61 : memref<1x128xi32, #tpu.memory_space<vmem>> -> memref<128xi32, #tpu.memory_space<vmem>>
    %dma_wait3A_63 = tpu.memref_slice %arg3[%add3A_58] : memref<819200xi32, #tpu.memory_space<hbm>> -> memref<128xi32, #tpu.memory_space<hbm>>
    %dma_wait3A_64 = arith.constant 0 : i32
    %dma_wait3A_65 = tpu.memref_slice %arg5[%dma_wait3A_59, %dma_wait3A_64] : memref<5x128xi32, #tpu.memory_space<vmem>> -> memref<1x128xi32, #tpu.memory_space<vmem>>
    %dma_wait3A_66 = tpu.memref_squeeze %dma_wait3A_65 : memref<1x128xi32, #tpu.memory_space<vmem>> -> memref<128xi32, #tpu.memory_space<vmem>>
    %dma_wait3A_67 = tpu.memref_slice %arg3[%add3A_58] : memref<819200xi32, #tpu.memory_space<hbm>> -> memref<128xi32, #tpu.memory_space<hbm>>
    tpu.wait_dma2 semaphore(%arg18 : memref<!tpu.dma_semaphore, #tpu.memory_space<semaphore_mem>>) src(%dma_wait3A_67 : memref<128xi32, #tpu.memory_space<hbm>>) dst(%dma_wait3A_66 : memref<128xi32, #tpu.memory_space<vmem>>)
    %dma_start3A_68 = arith.constant 1 : i32
    %dma_start3A_69 = arith.constant 1 : i32
    %dma_start3A_70 = arith.constant 0 : i32
    %dma_start3A_71 = arith.constant 0 : i32
    %dma_start3A_72 = tpu.memref_slice %arg6[%dma_start3A_69, %dma_start3A_70, %dma_start3A_71] : memref<5x128x128xf32, #tpu.memory_space<vmem>> -> memref<1x128x128xf32, #tpu.memory_space<vmem>>
    %dma_start3A_73 = tpu.memref_squeeze %dma_start3A_72 : memref<1x128x128xf32, #tpu.memory_space<vmem>> -> memref<128x128xf32, #tpu.memory_space<vmem>>
    %dma_start3A_74 = arith.constant 0 : i32
    %dma_start3A_75 = tpu.memref_slice %arg5[%dma_start3A_68, %dma_start3A_74] : memref<5x128xi32, #tpu.memory_space<vmem>> -> memref<1x128xi32, #tpu.memory_space<vmem>>
    %dma_start3A_76 = tpu.memref_squeeze %dma_start3A_75 : memref<1x128xi32, #tpu.memory_space<vmem>> -> memref<128xi32, #tpu.memory_space<vmem>>
    %dma_start3A_77 = arith.constant 0 : i32
    %dma_start3A_78 = arith.constant 0 : i32
    %dma_start3A_79 = tpu.memref_slice %arg2[%dma_start3A_77, %dma_start3A_78] : memref<1000000x128xf32, #tpu.memory_space<hbm>> -> memref<1000000x128xf32, #tpu.memory_space<hbm>>
    tpu.enqueue_indirect_dma source(%dma_start3A_79 : memref<1000000x128xf32, #tpu.memory_space<hbm>>) target(%dma_start3A_73 : memref<128x128xf32, #tpu.memory_space<vmem>>) offsets(%dma_start3A_76 : memref<128xi32, #tpu.memory_space<vmem>>) semaphore(%arg8 : memref<!tpu.dma_semaphore, #tpu.memory_space<semaphore_mem>>)
    %add3A_80 = arith.constant 384 : i32
    %add3A_81 = arith.addi %mul3A_2, %add3A_80 : i32
    %dma_start3A_82 = arith.constant 3 : i32
    %dma_start3A_83 = arith.constant 0 : i32
    %dma_start3A_84 = tpu.memref_slice %arg5[%dma_start3A_82, %dma_start3A_83] : memref<5x128xi32, #tpu.memory_space<vmem>> -> memref<1x128xi32, #tpu.memory_space<vmem>>
    %dma_start3A_85 = tpu.memref_squeeze %dma_start3A_84 : memref<1x128xi32, #tpu.memory_space<vmem>> -> memref<128xi32, #tpu.memory_space<vmem>>
    %dma_start3A_86 = tpu.memref_slice %arg3[%add3A_81] : memref<819200xi32, #tpu.memory_space<hbm>> -> memref<128xi32, #tpu.memory_space<hbm>>
    %dma_start3A_87 = arith.constant 0 : i32
    %dma_start3A_88 = tpu.memref_slice %arg5[%dma_start3A_82, %dma_start3A_87] : memref<5x128xi32, #tpu.memory_space<vmem>> -> memref<1x128xi32, #tpu.memory_space<vmem>>
    %dma_start3A_89 = tpu.memref_squeeze %dma_start3A_88 : memref<1x128xi32, #tpu.memory_space<vmem>> -> memref<128xi32, #tpu.memory_space<vmem>>
    %dma_start3A_90 = tpu.memref_slice %arg3[%add3A_81] : memref<819200xi32, #tpu.memory_space<hbm>> -> memref<128xi32, #tpu.memory_space<hbm>>
    tpu.enqueue_dma source(%dma_start3A_90 : memref<128xi32, #tpu.memory_space<hbm>>) target(%dma_start3A_89 : memref<128xi32, #tpu.memory_space<vmem>>) target_semaphore(%arg20 : memref<!tpu.dma_semaphore, #tpu.memory_space<semaphore_mem>>)
    %add3A_91 = arith.constant 256 : i32
    %add3A_92 = arith.addi %mul3A_2, %add3A_91 : i32
    %dma_wait3A_93 = arith.constant 2 : i32
    %dma_wait3A_94 = arith.constant 0 : i32
    %dma_wait3A_95 = tpu.memref_slice %arg5[%dma_wait3A_93, %dma_wait3A_94] : memref<5x128xi32, #tpu.memory_space<vmem>> -> memref<1x128xi32, #tpu.memory_space<vmem>>
    %dma_wait3A_96 = tpu.memref_squeeze %dma_wait3A_95 : memref<1x128xi32, #tpu.memory_space<vmem>> -> memref<128xi32, #tpu.memory_space<vmem>>
    %dma_wait3A_97 = tpu.memref_slice %arg3[%add3A_92] : memref<819200xi32, #tpu.memory_space<hbm>> -> memref<128xi32, #tpu.memory_space<hbm>>
    %dma_wait3A_98 = arith.constant 0 : i32
    %dma_wait3A_99 = tpu.memref_slice %arg5[%dma_wait3A_93, %dma_wait3A_98] : memref<5x128xi32, #tpu.memory_space<vmem>> -> memref<1x128xi32, #tpu.memory_space<vmem>>
    %dma_wait3A_100 = tpu.memref_squeeze %dma_wait3A_99 : memref<1x128xi32, #tpu.memory_space<vmem>> -> memref<128xi32, #tpu.memory_space<vmem>>
    %dma_wait3A_101 = tpu.memref_slice %arg3[%add3A_92] : memref<819200xi32, #tpu.memory_space<hbm>> -> memref<128xi32, #tpu.memory_space<hbm>>
    tpu.wait_dma2 semaphore(%arg19 : memref<!tpu.dma_semaphore, #tpu.memory_space<semaphore_mem>>) src(%dma_wait3A_101 : memref<128xi32, #tpu.memory_space<hbm>>) dst(%dma_wait3A_100 : memref<128xi32, #tpu.memory_space<vmem>>)
    %dma_start3A_102 = arith.constant 2 : i32
    %dma_start3A_103 = arith.constant 2 : i32
    %dma_start3A_104 = arith.constant 0 : i32
    %dma_start3A_105 = arith.constant 0 : i32
    %dma_start3A_106 = tpu.memref_slice %arg6[%dma_start3A_103, %dma_start3A_104, %dma_start3A_105] : memref<5x128x128xf32, #tpu.memory_space<vmem>> -> memref<1x128x128xf32, #tpu.memory_space<vmem>>
    %dma_start3A_107 = tpu.memref_squeeze %dma_start3A_106 : memref<1x128x128xf32, #tpu.memory_space<vmem>> -> memref<128x128xf32, #tpu.memory_space<vmem>>
    %dma_start3A_108 = arith.constant 0 : i32
    %dma_start3A_109 = tpu.memref_slice %arg5[%dma_start3A_102, %dma_start3A_108] : memref<5x128xi32, #tpu.memory_space<vmem>> -> memref<1x128xi32, #tpu.memory_space<vmem>>
    %dma_start3A_110 = tpu.memref_squeeze %dma_start3A_109 : memref<1x128xi32, #tpu.memory_space<vmem>> -> memref<128xi32, #tpu.memory_space<vmem>>
    %dma_start3A_111 = arith.constant 0 : i32
    %dma_start3A_112 = arith.constant 0 : i32
    %dma_start3A_113 = tpu.memref_slice %arg2[%dma_start3A_111, %dma_start3A_112] : memref<1000000x128xf32, #tpu.memory_space<hbm>> -> memref<1000000x128xf32, #tpu.memory_space<hbm>>
    tpu.enqueue_indirect_dma source(%dma_start3A_113 : memref<1000000x128xf32, #tpu.memory_space<hbm>>) target(%dma_start3A_107 : memref<128x128xf32, #tpu.memory_space<vmem>>) offsets(%dma_start3A_110 : memref<128xi32, #tpu.memory_space<vmem>>) semaphore(%arg9 : memref<!tpu.dma_semaphore, #tpu.memory_space<semaphore_mem>>)
    %add3A_114 = arith.constant 512 : i32
    %add3A_115 = arith.addi %mul3A_2, %add3A_114 : i32
    %dma_start3A_116 = arith.constant 4 : i32
    %dma_start3A_117 = arith.constant 0 : i32
    %dma_start3A_118 = tpu.memref_slice %arg5[%dma_start3A_116, %dma_start3A_117] : memref<5x128xi32, #tpu.memory_space<vmem>> -> memref<1x128xi32, #tpu.memory_space<vmem>>
    %dma_start3A_119 = tpu.memref_squeeze %dma_start3A_118 : memref<1x128xi32, #tpu.memory_space<vmem>> -> memref<128xi32, #tpu.memory_space<vmem>>
    %dma_start3A_120 = tpu.memref_slice %arg3[%add3A_115] : memref<819200xi32, #tpu.memory_space<hbm>> -> memref<128xi32, #tpu.memory_space<hbm>>
    %dma_start3A_121 = arith.constant 0 : i32
    %dma_start3A_122 = tpu.memref_slice %arg5[%dma_start3A_116, %dma_start3A_121] : memref<5x128xi32, #tpu.memory_space<vmem>> -> memref<1x128xi32, #tpu.memory_space<vmem>>
    %dma_start3A_123 = tpu.memref_squeeze %dma_start3A_122 : memref<1x128xi32, #tpu.memory_space<vmem>> -> memref<128xi32, #tpu.memory_space<vmem>>
    %dma_start3A_124 = tpu.memref_slice %arg3[%add3A_115] : memref<819200xi32, #tpu.memory_space<hbm>> -> memref<128xi32, #tpu.memory_space<hbm>>
    tpu.enqueue_dma source(%dma_start3A_124 : memref<128xi32, #tpu.memory_space<hbm>>) target(%dma_start3A_123 : memref<128xi32, #tpu.memory_space<vmem>>) target_semaphore(%arg21 : memref<!tpu.dma_semaphore, #tpu.memory_space<semaphore_mem>>)
    %add3A_125 = arith.constant 384 : i32
    %add3A_126 = arith.addi %mul3A_2, %add3A_125 : i32
    %dma_wait3A_127 = arith.constant 3 : i32
    %dma_wait3A_128 = arith.constant 0 : i32
    %dma_wait3A_129 = tpu.memref_slice %arg5[%dma_wait3A_127, %dma_wait3A_128] : memref<5x128xi32, #tpu.memory_space<vmem>> -> memref<1x128xi32, #tpu.memory_space<vmem>>
    %dma_wait3A_130 = tpu.memref_squeeze %dma_wait3A_129 : memref<1x128xi32, #tpu.memory_space<vmem>> -> memref<128xi32, #tpu.memory_space<vmem>>
    %dma_wait3A_131 = tpu.memref_slice %arg3[%add3A_126] : memref<819200xi32, #tpu.memory_space<hbm>> -> memref<128xi32, #tpu.memory_space<hbm>>
    %dma_wait3A_132 = arith.constant 0 : i32
    %dma_wait3A_133 = tpu.memref_slice %arg5[%dma_wait3A_127, %dma_wait3A_132] : memref<5x128xi32, #tpu.memory_space<vmem>> -> memref<1x128xi32, #tpu.memory_space<vmem>>
    %dma_wait3A_134 = tpu.memref_squeeze %dma_wait3A_133 : memref<1x128xi32, #tpu.memory_space<vmem>> -> memref<128xi32, #tpu.memory_space<vmem>>
    %dma_wait3A_135 = tpu.memref_slice %arg3[%add3A_126] : memref<819200xi32, #tpu.memory_space<hbm>> -> memref<128xi32, #tpu.memory_space<hbm>>
    tpu.wait_dma2 semaphore(%arg20 : memref<!tpu.dma_semaphore, #tpu.memory_space<semaphore_mem>>) src(%dma_wait3A_135 : memref<128xi32, #tpu.memory_space<hbm>>) dst(%dma_wait3A_134 : memref<128xi32, #tpu.memory_space<vmem>>)
    %dma_start3A_136 = arith.constant 3 : i32
    %dma_start3A_137 = arith.constant 3 : i32
    %dma_start3A_138 = arith.constant 0 : i32
    %dma_start3A_139 = arith.constant 0 : i32
    %dma_start3A_140 = tpu.memref_slice %arg6[%dma_start3A_137, %dma_start3A_138, %dma_start3A_139] : memref<5x128x128xf32, #tpu.memory_space<vmem>> -> memref<1x128x128xf32, #tpu.memory_space<vmem>>
    %dma_start3A_141 = tpu.memref_squeeze %dma_start3A_140 : memref<1x128x128xf32, #tpu.memory_space<vmem>> -> memref<128x128xf32, #tpu.memory_space<vmem>>
    %dma_start3A_142 = arith.constant 0 : i32
    %dma_start3A_143 = tpu.memref_slice %arg5[%dma_start3A_136, %dma_start3A_142] : memref<5x128xi32, #tpu.memory_space<vmem>> -> memref<1x128xi32, #tpu.memory_space<vmem>>
    %dma_start3A_144 = tpu.memref_squeeze %dma_start3A_143 : memref<1x128xi32, #tpu.memory_space<vmem>> -> memref<128xi32, #tpu.memory_space<vmem>>
    %dma_start3A_145 = arith.constant 0 : i32
    %dma_start3A_146 = arith.constant 0 : i32
    %dma_start3A_147 = tpu.memref_slice %arg2[%dma_start3A_145, %dma_start3A_146] : memref<1000000x128xf32, #tpu.memory_space<hbm>> -> memref<1000000x128xf32, #tpu.memory_space<hbm>>
    tpu.enqueue_indirect_dma source(%dma_start3A_147 : memref<1000000x128xf32, #tpu.memory_space<hbm>>) target(%dma_start3A_141 : memref<128x128xf32, #tpu.memory_space<vmem>>) offsets(%dma_start3A_144 : memref<128xi32, #tpu.memory_space<vmem>>) semaphore(%arg10 : memref<!tpu.dma_semaphore, #tpu.memory_space<semaphore_mem>>)
    %dma_wait3A_148 = arith.constant 0 : i32
    %dma_wait3A_149 = arith.constant 0 : i32
    %dma_wait3A_150 = arith.constant 0 : i32
    %dma_wait3A_151 = arith.constant 0 : i32
    %dma_wait3A_152 = tpu.memref_slice %arg6[%dma_wait3A_149, %dma_wait3A_150, %dma_wait3A_151] : memref<5x128x128xf32, #tpu.memory_space<vmem>> -> memref<1x128x128xf32, #tpu.memory_space<vmem>>
    %dma_wait3A_153 = tpu.memref_squeeze %dma_wait3A_152 : memref<1x128x128xf32, #tpu.memory_space<vmem>> -> memref<128x128xf32, #tpu.memory_space<vmem>>
    %dma_wait3A_154 = arith.constant 0 : i32
    %dma_wait3A_155 = tpu.memref_slice %arg5[%dma_wait3A_148, %dma_wait3A_154] : memref<5x128xi32, #tpu.memory_space<vmem>> -> memref<1x128xi32, #tpu.memory_space<vmem>>
    %dma_wait3A_156 = tpu.memref_squeeze %dma_wait3A_155 : memref<1x128xi32, #tpu.memory_space<vmem>> -> memref<128xi32, #tpu.memory_space<vmem>>
    %dma_wait3A_157 = arith.constant 0 : i32
    %dma_wait3A_158 = arith.constant 0 : i32
    %dma_wait3A_159 = tpu.memref_slice %arg2[%dma_wait3A_157, %dma_wait3A_158] : memref<1000000x128xf32, #tpu.memory_space<hbm>> -> memref<1000000x128xf32, #tpu.memory_space<hbm>>
    tpu.wait_indirect_dma semaphore(%arg7 : memref<!tpu.dma_semaphore, #tpu.memory_space<semaphore_mem>>) src(%dma_wait3A_159 : memref<1000000x128xf32, #tpu.memory_space<hbm>>) dst(%dma_wait3A_153 : memref<128x128xf32, #tpu.memory_space<vmem>>)
    %add3A_160 = arith.constant 0 : i32
    %add3A_161 = arith.addi %mul3A_2, %add3A_160 : i32
    %dma_start3A_162 = arith.constant 0 : i32
    %dma_start3A_163 = arith.constant 0 : i32
    %dma_start3A_164 = arith.constant 0 : i32
    %dma_start3A_165 = tpu.memref_slice %arg6[%dma_start3A_162, %dma_start3A_163, %dma_start3A_164] : memref<5x128x128xf32, #tpu.memory_space<vmem>> -> memref<1x128x128xf32, #tpu.memory_space<vmem>>
    %dma_start3A_166 = tpu.memref_squeeze %dma_start3A_165 : memref<1x128x128xf32, #tpu.memory_space<vmem>> -> memref<128x128xf32, #tpu.memory_space<vmem>>
    %dma_start3A_167 = arith.constant 0 : i32
    %dma_start3A_168 = tpu.memref_slice %arg4[%add3A_161, %dma_start3A_167] : memref<819200x128xf32, #tpu.memory_space<hbm>> -> memref<128x128xf32, #tpu.memory_space<hbm>>
    %dma_start3A_169 = arith.constant 0 : i32
    %dma_start3A_170 = tpu.memref_slice %arg4[%add3A_161, %dma_start3A_169] : memref<819200x128xf32, #tpu.memory_space<hbm>> -> memref<128x128xf32, #tpu.memory_space<hbm>>
    %dma_start3A_171 = arith.constant 0 : i32
    %dma_start3A_172 = arith.constant 0 : i32
    %dma_start3A_173 = tpu.memref_slice %arg6[%dma_start3A_162, %dma_start3A_171, %dma_start3A_172] : memref<5x128x128xf32, #tpu.memory_space<vmem>> -> memref<1x128x128xf32, #tpu.memory_space<vmem>>
    %dma_start3A_174 = tpu.memref_squeeze %dma_start3A_173 : memref<1x128x128xf32, #tpu.memory_space<vmem>> -> memref<128x128xf32, #tpu.memory_space<vmem>>
    tpu.enqueue_dma source(%dma_start3A_174 : memref<128x128xf32, #tpu.memory_space<vmem>>) target(%dma_start3A_170 : memref<128x128xf32, #tpu.memory_space<hbm>>) target_semaphore(%arg12 : memref<!tpu.dma_semaphore, #tpu.memory_space<semaphore_mem>>)
    %add3A_175 = arith.constant 640 : i32
    %add3A_176 = arith.addi %mul3A_2, %add3A_175 : i32
    %dma_start3A_177 = arith.constant 0 : i32
    %dma_start3A_178 = arith.constant 0 : i32
    %dma_start3A_179 = tpu.memref_slice %arg5[%dma_start3A_177, %dma_start3A_178] : memref<5x128xi32, #tpu.memory_space<vmem>> -> memref<1x128xi32, #tpu.memory_space<vmem>>
    %dma_start3A_180 = tpu.memref_squeeze %dma_start3A_179 : memref<1x128xi32, #tpu.memory_space<vmem>> -> memref<128xi32, #tpu.memory_space<vmem>>
    %dma_start3A_181 = tpu.memref_slice %arg3[%add3A_176] : memref<819200xi32, #tpu.memory_space<hbm>> -> memref<128xi32, #tpu.memory_space<hbm>>
    %dma_start3A_182 = arith.constant 0 : i32
    %dma_start3A_183 = tpu.memref_slice %arg5[%dma_start3A_177, %dma_start3A_182] : memref<5x128xi32, #tpu.memory_space<vmem>> -> memref<1x128xi32, #tpu.memory_space<vmem>>
    %dma_start3A_184 = tpu.memref_squeeze %dma_start3A_183 : memref<1x128xi32, #tpu.memory_space<vmem>> -> memref<128xi32, #tpu.memory_space<vmem>>
    %dma_start3A_185 = tpu.memref_slice %arg3[%add3A_176] : memref<819200xi32, #tpu.memory_space<hbm>> -> memref<128xi32, #tpu.memory_space<hbm>>
    tpu.enqueue_dma source(%dma_start3A_185 : memref<128xi32, #tpu.memory_space<hbm>>) target(%dma_start3A_184 : memref<128xi32, #tpu.memory_space<vmem>>) target_semaphore(%arg17 : memref<!tpu.dma_semaphore, #tpu.memory_space<semaphore_mem>>)
    %add3A_186 = arith.constant 512 : i32
    %add3A_187 = arith.addi %mul3A_2, %add3A_186 : i32
    %dma_wait3A_188 = arith.constant 4 : i32
    %dma_wait3A_189 = arith.constant 0 : i32
    %dma_wait3A_190 = tpu.memref_slice %arg5[%dma_wait3A_188, %dma_wait3A_189] : memref<5x128xi32, #tpu.memory_space<vmem>> -> memref<1x128xi32, #tpu.memory_space<vmem>>
    %dma_wait3A_191 = tpu.memref_squeeze %dma_wait3A_190 : memref<1x128xi32, #tpu.memory_space<vmem>> -> memref<128xi32, #tpu.memory_space<vmem>>
    %dma_wait3A_192 = tpu.memref_slice %arg3[%add3A_187] : memref<819200xi32, #tpu.memory_space<hbm>> -> memref<128xi32, #tpu.memory_space<hbm>>
    %dma_wait3A_193 = arith.constant 0 : i32
    %dma_wait3A_194 = tpu.memref_slice %arg5[%dma_wait3A_188, %dma_wait3A_193] : memref<5x128xi32, #tpu.memory_space<vmem>> -> memref<1x128xi32, #tpu.memory_space<vmem>>
    %dma_wait3A_195 = tpu.memref_squeeze %dma_wait3A_194 : memref<1x128xi32, #tpu.memory_space<vmem>> -> memref<128xi32, #tpu.memory_space<vmem>>
    %dma_wait3A_196 = tpu.memref_slice %arg3[%add3A_187] : memref<819200xi32, #tpu.memory_space<hbm>> -> memref<128xi32, #tpu.memory_space<hbm>>
    tpu.wait_dma2 semaphore(%arg21 : memref<!tpu.dma_semaphore, #tpu.memory_space<semaphore_mem>>) src(%dma_wait3A_196 : memref<128xi32, #tpu.memory_space<hbm>>) dst(%dma_wait3A_195 : memref<128xi32, #tpu.memory_space<vmem>>)
    %dma_start3A_197 = arith.constant 4 : i32
    %dma_start3A_198 = arith.constant 4 : i32
    %dma_start3A_199 = arith.constant 0 : i32
    %dma_start3A_200 = arith.constant 0 : i32
    %dma_start3A_201 = tpu.memref_slice %arg6[%dma_start3A_198, %dma_start3A_199, %dma_start3A_200] : memref<5x128x128xf32, #tpu.memory_space<vmem>> -> memref<1x128x128xf32, #tpu.memory_space<vmem>>
    %dma_start3A_202 = tpu.memref_squeeze %dma_start3A_201 : memref<1x128x128xf32, #tpu.memory_space<vmem>> -> memref<128x128xf32, #tpu.memory_space<vmem>>
    %dma_start3A_203 = arith.constant 0 : i32
    %dma_start3A_204 = tpu.memref_slice %arg5[%dma_start3A_197, %dma_start3A_203] : memref<5x128xi32, #tpu.memory_space<vmem>> -> memref<1x128xi32, #tpu.memory_space<vmem>>
    %dma_start3A_205 = tpu.memref_squeeze %dma_start3A_204 : memref<1x128xi32, #tpu.memory_space<vmem>> -> memref<128xi32, #tpu.memory_space<vmem>>
    %dma_start3A_206 = arith.constant 0 : i32
    %dma_start3A_207 = arith.constant 0 : i32
    %dma_start3A_208 = tpu.memref_slice %arg2[%dma_start3A_206, %dma_start3A_207] : memref<1000000x128xf32, #tpu.memory_space<hbm>> -> memref<1000000x128xf32, #tpu.memory_space<hbm>>
    tpu.enqueue_indirect_dma source(%dma_start3A_208 : memref<1000000x128xf32, #tpu.memory_space<hbm>>) target(%dma_start3A_202 : memref<128x128xf32, #tpu.memory_space<vmem>>) offsets(%dma_start3A_205 : memref<128xi32, #tpu.memory_space<vmem>>) semaphore(%arg11 : memref<!tpu.dma_semaphore, #tpu.memory_space<semaphore_mem>>)
    %dma_wait3A_209 = arith.constant 1 : i32
    %dma_wait3A_210 = arith.constant 1 : i32
    %dma_wait3A_211 = arith.constant 0 : i32
    %dma_wait3A_212 = arith.constant 0 : i32
    %dma_wait3A_213 = tpu.memref_slice %arg6[%dma_wait3A_210, %dma_wait3A_211, %dma_wait3A_212] : memref<5x128x128xf32, #tpu.memory_space<vmem>> -> memref<1x128x128xf32, #tpu.memory_space<vmem>>
    %dma_wait3A_214 = tpu.memref_squeeze %dma_wait3A_213 : memref<1x128x128xf32, #tpu.memory_space<vmem>> -> memref<128x128xf32, #tpu.memory_space<vmem>>
    %dma_wait3A_215 = arith.constant 0 : i32
    %dma_wait3A_216 = tpu.memref_slice %arg5[%dma_wait3A_209, %dma_wait3A_215] : memref<5x128xi32, #tpu.memory_space<vmem>> -> memref<1x128xi32, #tpu.memory_space<vmem>>
    %dma_wait3A_217 = tpu.memref_squeeze %dma_wait3A_216 : memref<1x128xi32, #tpu.memory_space<vmem>> -> memref<128xi32, #tpu.memory_space<vmem>>
    %dma_wait3A_218 = arith.constant 0 : i32
    %dma_wait3A_219 = arith.constant 0 : i32
    %dma_wait3A_220 = tpu.memref_slice %arg2[%dma_wait3A_218, %dma_wait3A_219] : memref<1000000x128xf32, #tpu.memory_space<hbm>> -> memref<1000000x128xf32, #tpu.memory_space<hbm>>
    tpu.wait_indirect_dma semaphore(%arg8 : memref<!tpu.dma_semaphore, #tpu.memory_space<semaphore_mem>>) src(%dma_wait3A_220 : memref<1000000x128xf32, #tpu.memory_space<hbm>>) dst(%dma_wait3A_214 : memref<128x128xf32, #tpu.memory_space<vmem>>)
    %add3A_221 = arith.constant 128 : i32
    %add3A_222 = arith.addi %mul3A_2, %add3A_221 : i32
    %dma_start3A_223 = arith.constant 1 : i32
    %dma_start3A_224 = arith.constant 0 : i32
    %dma_start3A_225 = arith.constant 0 : i32
    %dma_start3A_226 = tpu.memref_slice %arg6[%dma_start3A_223, %dma_start3A_224, %dma_start3A_225] : memref<5x128x128xf32, #tpu.memory_space<vmem>> -> memref<1x128x128xf32, #tpu.memory_space<vmem>>
    %dma_start3A_227 = tpu.memref_squeeze %dma_start3A_226 : memref<1x128x128xf32, #tpu.memory_space<vmem>> -> memref<128x128xf32, #tpu.memory_space<vmem>>
    %dma_start3A_228 = arith.constant 0 : i32
    %dma_start3A_229 = tpu.memref_slice %arg4[%add3A_222, %dma_start3A_228] : memref<819200x128xf32, #tpu.memory_space<hbm>> -> memref<128x128xf32, #tpu.memory_space<hbm>>
    %dma_start3A_230 = arith.constant 0 : i32
    %dma_start3A_231 = tpu.memref_slice %arg4[%add3A_222, %dma_start3A_230] : memref<819200x128xf32, #tpu.memory_space<hbm>> -> memref<128x128xf32, #tpu.memory_space<hbm>>
    %dma_start3A_232 = arith.constant 0 : i32
    %dma_start3A_233 = arith.constant 0 : i32
    %dma_start3A_234 = tpu.memref_slice %arg6[%dma_start3A_223, %dma_start3A_232, %dma_start3A_233] : memref<5x128x128xf32, #tpu.memory_space<vmem>> -> memref<1x128x128xf32, #tpu.memory_space<vmem>>
    %dma_start3A_235 = tpu.memref_squeeze %dma_start3A_234 : memref<1x128x128xf32, #tpu.memory_space<vmem>> -> memref<128x128xf32, #tpu.memory_space<vmem>>
    tpu.enqueue_dma source(%dma_start3A_235 : memref<128x128xf32, #tpu.memory_space<vmem>>) target(%dma_start3A_231 : memref<128x128xf32, #tpu.memory_space<hbm>>) target_semaphore(%arg13 : memref<!tpu.dma_semaphore, #tpu.memory_space<semaphore_mem>>)
    %add3A_236 = arith.constant 768 : i32
    %add3A_237 = arith.addi %mul3A_2, %add3A_236 : i32
    %dma_start3A_238 = arith.constant 1 : i32
    %dma_start3A_239 = arith.constant 0 : i32
    %dma_start3A_240 = tpu.memref_slice %arg5[%dma_start3A_238, %dma_start3A_239] : memref<5x128xi32, #tpu.memory_space<vmem>> -> memref<1x128xi32, #tpu.memory_space<vmem>>
    %dma_start3A_241 = tpu.memref_squeeze %dma_start3A_240 : memref<1x128xi32, #tpu.memory_space<vmem>> -> memref<128xi32, #tpu.memory_space<vmem>>
    %dma_start3A_242 = tpu.memref_slice %arg3[%add3A_237] : memref<819200xi32, #tpu.memory_space<hbm>> -> memref<128xi32, #tpu.memory_space<hbm>>
    %dma_start3A_243 = arith.constant 0 : i32
    %dma_start3A_244 = tpu.memref_slice %arg5[%dma_start3A_238, %dma_start3A_243] : memref<5x128xi32, #tpu.memory_space<vmem>> -> memref<1x128xi32, #tpu.memory_space<vmem>>
    %dma_start3A_245 = tpu.memref_squeeze %dma_start3A_244 : memref<1x128xi32, #tpu.memory_space<vmem>> -> memref<128xi32, #tpu.memory_space<vmem>>
    %dma_start3A_246 = tpu.memref_slice %arg3[%add3A_237] : memref<819200xi32, #tpu.memory_space<hbm>> -> memref<128xi32, #tpu.memory_space<hbm>>
    tpu.enqueue_dma source(%dma_start3A_246 : memref<128xi32, #tpu.memory_space<hbm>>) target(%dma_start3A_245 : memref<128xi32, #tpu.memory_space<vmem>>) target_semaphore(%arg18 : memref<!tpu.dma_semaphore, #tpu.memory_space<semaphore_mem>>)
    %scan3A = arith.constant 0 : i32
    %scan3A_247 = arith.constant 1 : i32
    %scan3A_248 = arith.constant 39 : i32
    %scan3A_249 = arith.addi %scan3A_247, %scan3A_248 : i32
    %scan3A_250 = arith.constant 1 : i32
    scf.for %scan3A_408 = %scan3A_247 to %scan3A_249 step %scan3A_250  : i32 {
      %mul3A_409 = arith.constant 5 : i32
      %mul3A_410 = arith.muli %mul3A_409, %scan3A_408 : i32
      %add3A_411 = arith.constant 0 : i32
      %add3A_412 = arith.addi %mul3A_410, %add3A_411 : i32
      %sub3A = arith.constant 5 : i32
      %sub3A_413 = arith.subi %add3A_412, %sub3A : i32
      %mul3A_414 = arith.constant 128 : i32
      %mul3A_415 = arith.muli %sub3A_413, %mul3A_414 : i32
      %add3A_416 = arith.addi %mul3A_2, %mul3A_415 : i32
      %dma_wait3A_417 = arith.constant 0 : i32
      %dma_wait3A_418 = arith.constant 0 : i32
      %dma_wait3A_419 = arith.constant 0 : i32
      %dma_wait3A_420 = tpu.memref_slice %arg6[%dma_wait3A_417, %dma_wait3A_418, %dma_wait3A_419] : memref<5x128x128xf32, #tpu.memory_space<vmem>> -> memref<1x128x128xf32, #tpu.memory_space<vmem>>
      %dma_wait3A_421 = tpu.memref_squeeze %dma_wait3A_420 : memref<1x128x128xf32, #tpu.memory_space<vmem>> -> memref<128x128xf32, #tpu.memory_space<vmem>>
      %dma_wait3A_422 = arith.constant 0 : i32
      %dma_wait3A_423 = tpu.memref_slice %arg4[%add3A_416, %dma_wait3A_422] : memref<819200x128xf32, #tpu.memory_space<hbm>> -> memref<128x128xf32, #tpu.memory_space<hbm>>
      %dma_wait3A_424 = arith.constant 0 : i32
      %dma_wait3A_425 = tpu.memref_slice %arg4[%add3A_416, %dma_wait3A_424] : memref<819200x128xf32, #tpu.memory_space<hbm>> -> memref<128x128xf32, #tpu.memory_space<hbm>>
      %dma_wait3A_426 = arith.constant 0 : i32
      %dma_wait3A_427 = arith.constant 0 : i32
      %dma_wait3A_428 = tpu.memref_slice %arg6[%dma_wait3A_417, %dma_wait3A_426, %dma_wait3A_427] : memref<5x128x128xf32, #tpu.memory_space<vmem>> -> memref<1x128x128xf32, #tpu.memory_space<vmem>>
      %dma_wait3A_429 = tpu.memref_squeeze %dma_wait3A_428 : memref<1x128x128xf32, #tpu.memory_space<vmem>> -> memref<128x128xf32, #tpu.memory_space<vmem>>
      tpu.wait_dma2 semaphore(%arg12 : memref<!tpu.dma_semaphore, #tpu.memory_space<semaphore_mem>>) src(%dma_wait3A_429 : memref<128x128xf32, #tpu.memory_space<vmem>>) dst(%dma_wait3A_425 : memref<128x128xf32, #tpu.memory_space<hbm>>)
      %mul3A_430 = arith.constant 128 : i32
      %mul3A_431 = arith.muli %add3A_412, %mul3A_430 : i32
      %add3A_432 = arith.addi %mul3A_2, %mul3A_431 : i32
      %dma_wait3A_433 = arith.constant 0 : i32
      %dma_wait3A_434 = arith.constant 0 : i32
      %dma_wait3A_435 = tpu.memref_slice %arg5[%dma_wait3A_433, %dma_wait3A_434] : memref<5x128xi32, #tpu.memory_space<vmem>> -> memref<1x128xi32, #tpu.memory_space<vmem>>
      %dma_wait3A_436 = tpu.memref_squeeze %dma_wait3A_435 : memref<1x128xi32, #tpu.memory_space<vmem>> -> memref<128xi32, #tpu.memory_space<vmem>>
      %dma_wait3A_437 = tpu.memref_slice %arg3[%add3A_432] : memref<819200xi32, #tpu.memory_space<hbm>> -> memref<128xi32, #tpu.memory_space<hbm>>
      %dma_wait3A_438 = arith.constant 0 : i32
      %dma_wait3A_439 = tpu.memref_slice %arg5[%dma_wait3A_433, %dma_wait3A_438] : memref<5x128xi32, #tpu.memory_space<vmem>> -> memref<1x128xi32, #tpu.memory_space<vmem>>
      %dma_wait3A_440 = tpu.memref_squeeze %dma_wait3A_439 : memref<1x128xi32, #tpu.memory_space<vmem>> -> memref<128xi32, #tpu.memory_space<vmem>>
      %dma_wait3A_441 = tpu.memref_slice %arg3[%add3A_432] : memref<819200xi32, #tpu.memory_space<hbm>> -> memref<128xi32, #tpu.memory_space<hbm>>
      tpu.wait_dma2 semaphore(%arg17 : memref<!tpu.dma_semaphore, #tpu.memory_space<semaphore_mem>>) src(%dma_wait3A_441 : memref<128xi32, #tpu.memory_space<hbm>>) dst(%dma_wait3A_440 : memref<128xi32, #tpu.memory_space<vmem>>)
      %dma_start3A_442 = arith.constant 0 : i32
      %dma_start3A_443 = arith.constant 0 : i32
      %dma_start3A_444 = arith.constant 0 : i32
      %dma_start3A_445 = arith.constant 0 : i32
      %dma_start3A_446 = tpu.memref_slice %arg6[%dma_start3A_443, %dma_start3A_444, %dma_start3A_445] : memref<5x128x128xf32, #tpu.memory_space<vmem>> -> memref<1x128x128xf32, #tpu.memory_space<vmem>>
      %dma_start3A_447 = tpu.memref_squeeze %dma_start3A_446 : memref<1x128x128xf32, #tpu.memory_space<vmem>> -> memref<128x128xf32, #tpu.memory_space<vmem>>
      %dma_start3A_448 = arith.constant 0 : i32
      %dma_start3A_449 = tpu.memref_slice %arg5[%dma_start3A_442, %dma_start3A_448] : memref<5x128xi32, #tpu.memory_space<vmem>> -> memref<1x128xi32, #tpu.memory_space<vmem>>
      %dma_start3A_450 = tpu.memref_squeeze %dma_start3A_449 : memref<1x128xi32, #tpu.memory_space<vmem>> -> memref<128xi32, #tpu.memory_space<vmem>>
      %dma_start3A_451 = arith.constant 0 : i32
      %dma_start3A_452 = arith.constant 0 : i32
      %dma_start3A_453 = tpu.memref_slice %arg2[%dma_start3A_451, %dma_start3A_452] : memref<1000000x128xf32, #tpu.memory_space<hbm>> -> memref<1000000x128xf32, #tpu.memory_space<hbm>>
      tpu.enqueue_indirect_dma source(%dma_start3A_453 : memref<1000000x128xf32, #tpu.memory_space<hbm>>) target(%dma_start3A_447 : memref<128x128xf32, #tpu.memory_space<vmem>>) offsets(%dma_start3A_450 : memref<128xi32, #tpu.memory_space<vmem>>) semaphore(%arg7 : memref<!tpu.dma_semaphore, #tpu.memory_space<semaphore_mem>>)
      %dma_wait3A_454 = arith.constant 2 : i32
      %dma_wait3A_455 = arith.constant 2 : i32
      %dma_wait3A_456 = arith.constant 0 : i32
      %dma_wait3A_457 = arith.constant 0 : i32
      %dma_wait3A_458 = tpu.memref_slice %arg6[%dma_wait3A_455, %dma_wait3A_456, %dma_wait3A_457] : memref<5x128x128xf32, #tpu.memory_space<vmem>> -> memref<1x128x128xf32, #tpu.memory_space<vmem>>
      %dma_wait3A_459 = tpu.memref_squeeze %dma_wait3A_458 : memref<1x128x128xf32, #tpu.memory_space<vmem>> -> memref<128x128xf32, #tpu.memory_space<vmem>>
      %dma_wait3A_460 = arith.constant 0 : i32
      %dma_wait3A_461 = tpu.memref_slice %arg5[%dma_wait3A_454, %dma_wait3A_460] : memref<5x128xi32, #tpu.memory_space<vmem>> -> memref<1x128xi32, #tpu.memory_space<vmem>>
      %dma_wait3A_462 = tpu.memref_squeeze %dma_wait3A_461 : memref<1x128xi32, #tpu.memory_space<vmem>> -> memref<128xi32, #tpu.memory_space<vmem>>
      %dma_wait3A_463 = arith.constant 0 : i32
      %dma_wait3A_464 = arith.constant 0 : i32
      %dma_wait3A_465 = tpu.memref_slice %arg2[%dma_wait3A_463, %dma_wait3A_464] : memref<1000000x128xf32, #tpu.memory_space<hbm>> -> memref<1000000x128xf32, #tpu.memory_space<hbm>>
      tpu.wait_indirect_dma semaphore(%arg9 : memref<!tpu.dma_semaphore, #tpu.memory_space<semaphore_mem>>) src(%dma_wait3A_465 : memref<1000000x128xf32, #tpu.memory_space<hbm>>) dst(%dma_wait3A_459 : memref<128x128xf32, #tpu.memory_space<vmem>>)
      %sub3A_466 = arith.constant 3 : i32
      %sub3A_467 = arith.subi %add3A_412, %sub3A_466 : i32
      %mul3A_468 = arith.constant 128 : i32
      %mul3A_469 = arith.muli %sub3A_467, %mul3A_468 : i32
      %add3A_470 = arith.addi %mul3A_2, %mul3A_469 : i32
      %dma_start3A_471 = arith.constant 2 : i32
      %dma_start3A_472 = arith.constant 0 : i32
      %dma_start3A_473 = arith.constant 0 : i32
      %dma_start3A_474 = tpu.memref_slice %arg6[%dma_start3A_471, %dma_start3A_472, %dma_start3A_473] : memref<5x128x128xf32, #tpu.memory_space<vmem>> -> memref<1x128x128xf32, #tpu.memory_space<vmem>>
      %dma_start3A_475 = tpu.memref_squeeze %dma_start3A_474 : memref<1x128x128xf32, #tpu.memory_space<vmem>> -> memref<128x128xf32, #tpu.memory_space<vmem>>
      %dma_start3A_476 = arith.constant 0 : i32
      %dma_start3A_477 = tpu.memref_slice %arg4[%add3A_470, %dma_start3A_476] : memref<819200x128xf32, #tpu.memory_space<hbm>> -> memref<128x128xf32, #tpu.memory_space<hbm>>
      %dma_start3A_478 = arith.constant 0 : i32
      %dma_start3A_479 = tpu.memref_slice %arg4[%add3A_470, %dma_start3A_478] : memref<819200x128xf32, #tpu.memory_space<hbm>> -> memref<128x128xf32, #tpu.memory_space<hbm>>
      %dma_start3A_480 = arith.constant 0 : i32
      %dma_start3A_481 = arith.constant 0 : i32
      %dma_start3A_482 = tpu.memref_slice %arg6[%dma_start3A_471, %dma_start3A_480, %dma_start3A_481] : memref<5x128x128xf32, #tpu.memory_space<vmem>> -> memref<1x128x128xf32, #tpu.memory_space<vmem>>
      %dma_start3A_483 = tpu.memref_squeeze %dma_start3A_482 : memref<1x128x128xf32, #tpu.memory_space<vmem>> -> memref<128x128xf32, #tpu.memory_space<vmem>>
      tpu.enqueue_dma source(%dma_start3A_483 : memref<128x128xf32, #tpu.memory_space<vmem>>) target(%dma_start3A_479 : memref<128x128xf32, #tpu.memory_space<hbm>>) target_semaphore(%arg14 : memref<!tpu.dma_semaphore, #tpu.memory_space<semaphore_mem>>)
      %add3A_484 = arith.constant 2 : i32
      %add3A_485 = arith.addi %add3A_412, %add3A_484 : i32
      %lt3A = arith.constant 200 : i32
      %lt3A_486 = arith.cmpi slt, %add3A_485, %lt3A : i32
      %convert_element_type3A = arith.extui %lt3A_486 : i1 to i32
      %cond3A = arith.constant 0 : i32
      %cond3A_487 = arith.cmpi ne, %convert_element_type3A, %cond3A : i32
      scf.if %cond3A_487 {
        %add3A_820 = arith.constant 2 : i32
        %add3A_821 = arith.addi %add3A_412, %add3A_820 : i32
        %mul3A_822 = arith.constant 128 : i32
        %mul3A_823 = arith.muli %add3A_821, %mul3A_822 : i32
        %add3A_824 = arith.addi %mul3A_2, %mul3A_823 : i32
        %dma_start3A_825 = arith.constant 2 : i32
        %dma_start3A_826 = arith.constant 0 : i32
        %dma_start3A_827 = tpu.memref_slice %arg5[%dma_start3A_825, %dma_start3A_826] : memref<5x128xi32, #tpu.memory_space<vmem>> -> memref<1x128xi32, #tpu.memory_space<vmem>>
        %dma_start3A_828 = tpu.memref_squeeze %dma_start3A_827 : memref<1x128xi32, #tpu.memory_space<vmem>> -> memref<128xi32, #tpu.memory_space<vmem>>
        %dma_start3A_829 = tpu.memref_slice %arg3[%add3A_824] : memref<819200xi32, #tpu.memory_space<hbm>> -> memref<128xi32, #tpu.memory_space<hbm>>
        %dma_start3A_830 = arith.constant 0 : i32
        %dma_start3A_831 = tpu.memref_slice %arg5[%dma_start3A_825, %dma_start3A_830] : memref<5x128xi32, #tpu.memory_space<vmem>> -> memref<1x128xi32, #tpu.memory_space<vmem>>
        %dma_start3A_832 = tpu.memref_squeeze %dma_start3A_831 : memref<1x128xi32, #tpu.memory_space<vmem>> -> memref<128xi32, #tpu.memory_space<vmem>>
        %dma_start3A_833 = tpu.memref_slice %arg3[%add3A_824] : memref<819200xi32, #tpu.memory_space<hbm>> -> memref<128xi32, #tpu.memory_space<hbm>>
        tpu.enqueue_dma source(%dma_start3A_833 : memref<128xi32, #tpu.memory_space<hbm>>) target(%dma_start3A_832 : memref<128xi32, #tpu.memory_space<vmem>>) target_semaphore(%arg19 : memref<!tpu.dma_semaphore, #tpu.memory_space<semaphore_mem>>)
      } else {
      }
      %mul3A_488 = arith.constant 5 : i32
      %mul3A_489 = arith.muli %mul3A_488, %scan3A_408 : i32
      %add3A_490 = arith.constant 1 : i32
      %add3A_491 = arith.addi %mul3A_489, %add3A_490 : i32
      %sub3A_492 = arith.constant 5 : i32
      %sub3A_493 = arith.subi %add3A_491, %sub3A_492 : i32
      %mul3A_494 = arith.constant 128 : i32
      %mul3A_495 = arith.muli %sub3A_493, %mul3A_494 : i32
      %add3A_496 = arith.addi %mul3A_2, %mul3A_495 : i32
      %dma_wait3A_497 = arith.constant 1 : i32
      %dma_wait3A_498 = arith.constant 0 : i32
      %dma_wait3A_499 = arith.constant 0 : i32
      %dma_wait3A_500 = tpu.memref_slice %arg6[%dma_wait3A_497, %dma_wait3A_498, %dma_wait3A_499] : memref<5x128x128xf32, #tpu.memory_space<vmem>> -> memref<1x128x128xf32, #tpu.memory_space<vmem>>
      %dma_wait3A_501 = tpu.memref_squeeze %dma_wait3A_500 : memref<1x128x128xf32, #tpu.memory_space<vmem>> -> memref<128x128xf32, #tpu.memory_space<vmem>>
      %dma_wait3A_502 = arith.constant 0 : i32
      %dma_wait3A_503 = tpu.memref_slice %arg4[%add3A_496, %dma_wait3A_502] : memref<819200x128xf32, #tpu.memory_space<hbm>> -> memref<128x128xf32, #tpu.memory_space<hbm>>
      %dma_wait3A_504 = arith.constant 0 : i32
      %dma_wait3A_505 = tpu.memref_slice %arg4[%add3A_496, %dma_wait3A_504] : memref<819200x128xf32, #tpu.memory_space<hbm>> -> memref<128x128xf32, #tpu.memory_space<hbm>>
      %dma_wait3A_506 = arith.constant 0 : i32
      %dma_wait3A_507 = arith.constant 0 : i32
      %dma_wait3A_508 = tpu.memref_slice %arg6[%dma_wait3A_497, %dma_wait3A_506, %dma_wait3A_507] : memref<5x128x128xf32, #tpu.memory_space<vmem>> -> memref<1x128x128xf32, #tpu.memory_space<vmem>>
      %dma_wait3A_509 = tpu.memref_squeeze %dma_wait3A_508 : memref<1x128x128xf32, #tpu.memory_space<vmem>> -> memref<128x128xf32, #tpu.memory_space<vmem>>
      tpu.wait_dma2 semaphore(%arg13 : memref<!tpu.dma_semaphore, #tpu.memory_space<semaphore_mem>>) src(%dma_wait3A_509 : memref<128x128xf32, #tpu.memory_space<vmem>>) dst(%dma_wait3A_505 : memref<128x128xf32, #tpu.memory_space<hbm>>)
      %mul3A_510 = arith.constant 128 : i32
      %mul3A_511 = arith.muli %add3A_491, %mul3A_510 : i32
      %add3A_512 = arith.addi %mul3A_2, %mul3A_511 : i32
      %dma_wait3A_513 = arith.constant 1 : i32
      %dma_wait3A_514 = arith.constant 0 : i32
      %dma_wait3A_515 = tpu.memref_slice %arg5[%dma_wait3A_513, %dma_wait3A_514] : memref<5x128xi32, #tpu.memory_space<vmem>> -> memref<1x128xi32, #tpu.memory_space<vmem>>
      %dma_wait3A_516 = tpu.memref_squeeze %dma_wait3A_515 : memref<1x128xi32, #tpu.memory_space<vmem>> -> memref<128xi32, #tpu.memory_space<vmem>>
      %dma_wait3A_517 = tpu.memref_slice %arg3[%add3A_512] : memref<819200xi32, #tpu.memory_space<hbm>> -> memref<128xi32, #tpu.memory_space<hbm>>
      %dma_wait3A_518 = arith.constant 0 : i32
      %dma_wait3A_519 = tpu.memref_slice %arg5[%dma_wait3A_513, %dma_wait3A_518] : memref<5x128xi32, #tpu.memory_space<vmem>> -> memref<1x128xi32, #tpu.memory_space<vmem>>
      %dma_wait3A_520 = tpu.memref_squeeze %dma_wait3A_519 : memref<1x128xi32, #tpu.memory_space<vmem>> -> memref<128xi32, #tpu.memory_space<vmem>>
      %dma_wait3A_521 = tpu.memref_slice %arg3[%add3A_512] : memref<819200xi32, #tpu.memory_space<hbm>> -> memref<128xi32, #tpu.memory_space<hbm>>
      tpu.wait_dma2 semaphore(%arg18 : memref<!tpu.dma_semaphore, #tpu.memory_space<semaphore_mem>>) src(%dma_wait3A_521 : memref<128xi32, #tpu.memory_space<hbm>>) dst(%dma_wait3A_520 : memref<128xi32, #tpu.memory_space<vmem>>)
      %dma_start3A_522 = arith.constant 1 : i32
      %dma_start3A_523 = arith.constant 1 : i32
      %dma_start3A_524 = arith.constant 0 : i32
      %dma_start3A_525 = arith.constant 0 : i32
      %dma_start3A_526 = tpu.memref_slice %arg6[%dma_start3A_523, %dma_start3A_524, %dma_start3A_525] : memref<5x128x128xf32, #tpu.memory_space<vmem>> -> memref<1x128x128xf32, #tpu.memory_space<vmem>>
      %dma_start3A_527 = tpu.memref_squeeze %dma_start3A_526 : memref<1x128x128xf32, #tpu.memory_space<vmem>> -> memref<128x128xf32, #tpu.memory_space<vmem>>
      %dma_start3A_528 = arith.constant 0 : i32
      %dma_start3A_529 = tpu.memref_slice %arg5[%dma_start3A_522, %dma_start3A_528] : memref<5x128xi32, #tpu.memory_space<vmem>> -> memref<1x128xi32, #tpu.memory_space<vmem>>
      %dma_start3A_530 = tpu.memref_squeeze %dma_start3A_529 : memref<1x128xi32, #tpu.memory_space<vmem>> -> memref<128xi32, #tpu.memory_space<vmem>>
      %dma_start3A_531 = arith.constant 0 : i32
      %dma_start3A_532 = arith.constant 0 : i32
      %dma_start3A_533 = tpu.memref_slice %arg2[%dma_start3A_531, %dma_start3A_532] : memref<1000000x128xf32, #tpu.memory_space<hbm>> -> memref<1000000x128xf32, #tpu.memory_space<hbm>>
      tpu.enqueue_indirect_dma source(%dma_start3A_533 : memref<1000000x128xf32, #tpu.memory_space<hbm>>) target(%dma_start3A_527 : memref<128x128xf32, #tpu.memory_space<vmem>>) offsets(%dma_start3A_530 : memref<128xi32, #tpu.memory_space<vmem>>) semaphore(%arg8 : memref<!tpu.dma_semaphore, #tpu.memory_space<semaphore_mem>>)
      %dma_wait3A_534 = arith.constant 3 : i32
      %dma_wait3A_535 = arith.constant 3 : i32
      %dma_wait3A_536 = arith.constant 0 : i32
      %dma_wait3A_537 = arith.constant 0 : i32
      %dma_wait3A_538 = tpu.memref_slice %arg6[%dma_wait3A_535, %dma_wait3A_536, %dma_wait3A_537] : memref<5x128x128xf32, #tpu.memory_space<vmem>> -> memref<1x128x128xf32, #tpu.memory_space<vmem>>
      %dma_wait3A_539 = tpu.memref_squeeze %dma_wait3A_538 : memref<1x128x128xf32, #tpu.memory_space<vmem>> -> memref<128x128xf32, #tpu.memory_space<vmem>>
      %dma_wait3A_540 = arith.constant 0 : i32
      %dma_wait3A_541 = tpu.memref_slice %arg5[%dma_wait3A_534, %dma_wait3A_540] : memref<5x128xi32, #tpu.memory_space<vmem>> -> memref<1x128xi32, #tpu.memory_space<vmem>>
      %dma_wait3A_542 = tpu.memref_squeeze %dma_wait3A_541 : memref<1x128xi32, #tpu.memory_space<vmem>> -> memref<128xi32, #tpu.memory_space<vmem>>
      %dma_wait3A_543 = arith.constant 0 : i32
      %dma_wait3A_544 = arith.constant 0 : i32
      %dma_wait3A_545 = tpu.memref_slice %arg2[%dma_wait3A_543, %dma_wait3A_544] : memref<1000000x128xf32, #tpu.memory_space<hbm>> -> memref<1000000x128xf32, #tpu.memory_space<hbm>>
      tpu.wait_indirect_dma semaphore(%arg10 : memref<!tpu.dma_semaphore, #tpu.memory_space<semaphore_mem>>) src(%dma_wait3A_545 : memref<1000000x128xf32, #tpu.memory_space<hbm>>) dst(%dma_wait3A_539 : memref<128x128xf32, #tpu.memory_space<vmem>>)
      %sub3A_546 = arith.constant 3 : i32
      %sub3A_547 = arith.subi %add3A_491, %sub3A_546 : i32
      %mul3A_548 = arith.constant 128 : i32
      %mul3A_549 = arith.muli %sub3A_547, %mul3A_548 : i32
      %add3A_550 = arith.addi %mul3A_2, %mul3A_549 : i32
      %dma_start3A_551 = arith.constant 3 : i32
      %dma_start3A_552 = arith.constant 0 : i32
      %dma_start3A_553 = arith.constant 0 : i32
      %dma_start3A_554 = tpu.memref_slice %arg6[%dma_start3A_551, %dma_start3A_552, %dma_start3A_553] : memref<5x128x128xf32, #tpu.memory_space<vmem>> -> memref<1x128x128xf32, #tpu.memory_space<vmem>>
      %dma_start3A_555 = tpu.memref_squeeze %dma_start3A_554 : memref<1x128x128xf32, #tpu.memory_space<vmem>> -> memref<128x128xf32, #tpu.memory_space<vmem>>
      %dma_start3A_556 = arith.constant 0 : i32
      %dma_start3A_557 = tpu.memref_slice %arg4[%add3A_550, %dma_start3A_556] : memref<819200x128xf32, #tpu.memory_space<hbm>> -> memref<128x128xf32, #tpu.memory_space<hbm>>
      %dma_start3A_558 = arith.constant 0 : i32
      %dma_start3A_559 = tpu.memref_slice %arg4[%add3A_550, %dma_start3A_558] : memref<819200x128xf32, #tpu.memory_space<hbm>> -> memref<128x128xf32, #tpu.memory_space<hbm>>
      %dma_start3A_560 = arith.constant 0 : i32
      %dma_start3A_561 = arith.constant 0 : i32
      %dma_start3A_562 = tpu.memref_slice %arg6[%dma_start3A_551, %dma_start3A_560, %dma_start3A_561] : memref<5x128x128xf32, #tpu.memory_space<vmem>> -> memref<1x128x128xf32, #tpu.memory_space<vmem>>
      %dma_start3A_563 = tpu.memref_squeeze %dma_start3A_562 : memref<1x128x128xf32, #tpu.memory_space<vmem>> -> memref<128x128xf32, #tpu.memory_space<vmem>>
      tpu.enqueue_dma source(%dma_start3A_563 : memref<128x128xf32, #tpu.memory_space<vmem>>) target(%dma_start3A_559 : memref<128x128xf32, #tpu.memory_space<hbm>>) target_semaphore(%arg15 : memref<!tpu.dma_semaphore, #tpu.memory_space<semaphore_mem>>)
      %add3A_564 = arith.constant 2 : i32
      %add3A_565 = arith.addi %add3A_491, %add3A_564 : i32
      %lt3A_566 = arith.constant 200 : i32
      %lt3A_567 = arith.cmpi slt, %add3A_565, %lt3A_566 : i32
      %convert_element_type3A_568 = arith.extui %lt3A_567 : i1 to i32
      %cond3A_569 = arith.constant 0 : i32
      %cond3A_570 = arith.cmpi ne, %convert_element_type3A_568, %cond3A_569 : i32
      scf.if %cond3A_570 {
        %add3A_820 = arith.constant 2 : i32
        %add3A_821 = arith.addi %add3A_491, %add3A_820 : i32
        %mul3A_822 = arith.constant 128 : i32
        %mul3A_823 = arith.muli %add3A_821, %mul3A_822 : i32
        %add3A_824 = arith.addi %mul3A_2, %mul3A_823 : i32
        %dma_start3A_825 = arith.constant 3 : i32
        %dma_start3A_826 = arith.constant 0 : i32
        %dma_start3A_827 = tpu.memref_slice %arg5[%dma_start3A_825, %dma_start3A_826] : memref<5x128xi32, #tpu.memory_space<vmem>> -> memref<1x128xi32, #tpu.memory_space<vmem>>
        %dma_start3A_828 = tpu.memref_squeeze %dma_start3A_827 : memref<1x128xi32, #tpu.memory_space<vmem>> -> memref<128xi32, #tpu.memory_space<vmem>>
        %dma_start3A_829 = tpu.memref_slice %arg3[%add3A_824] : memref<819200xi32, #tpu.memory_space<hbm>> -> memref<128xi32, #tpu.memory_space<hbm>>
        %dma_start3A_830 = arith.constant 0 : i32
        %dma_start3A_831 = tpu.memref_slice %arg5[%dma_start3A_825, %dma_start3A_830] : memref<5x128xi32, #tpu.memory_space<vmem>> -> memref<1x128xi32, #tpu.memory_space<vmem>>
        %dma_start3A_832 = tpu.memref_squeeze %dma_start3A_831 : memref<1x128xi32, #tpu.memory_space<vmem>> -> memref<128xi32, #tpu.memory_space<vmem>>
        %dma_start3A_833 = tpu.memref_slice %arg3[%add3A_824] : memref<819200xi32, #tpu.memory_space<hbm>> -> memref<128xi32, #tpu.memory_space<hbm>>
        tpu.enqueue_dma source(%dma_start3A_833 : memref<128xi32, #tpu.memory_space<hbm>>) target(%dma_start3A_832 : memref<128xi32, #tpu.memory_space<vmem>>) target_semaphore(%arg20 : memref<!tpu.dma_semaphore, #tpu.memory_space<semaphore_mem>>)
      } else {
      }
      %mul3A_571 = arith.constant 5 : i32
      %mul3A_572 = arith.muli %mul3A_571, %scan3A_408 : i32
      %add3A_573 = arith.constant 2 : i32
      %add3A_574 = arith.addi %mul3A_572, %add3A_573 : i32
      %sub3A_575 = arith.constant 5 : i32
      %sub3A_576 = arith.subi %add3A_574, %sub3A_575 : i32
      %mul3A_577 = arith.constant 128 : i32
      %mul3A_578 = arith.muli %sub3A_576, %mul3A_577 : i32
      %add3A_579 = arith.addi %mul3A_2, %mul3A_578 : i32
      %dma_wait3A_580 = arith.constant 2 : i32
      %dma_wait3A_581 = arith.constant 0 : i32
      %dma_wait3A_582 = arith.constant 0 : i32
      %dma_wait3A_583 = tpu.memref_slice %arg6[%dma_wait3A_580, %dma_wait3A_581, %dma_wait3A_582] : memref<5x128x128xf32, #tpu.memory_space<vmem>> -> memref<1x128x128xf32, #tpu.memory_space<vmem>>
      %dma_wait3A_584 = tpu.memref_squeeze %dma_wait3A_583 : memref<1x128x128xf32, #tpu.memory_space<vmem>> -> memref<128x128xf32, #tpu.memory_space<vmem>>
      %dma_wait3A_585 = arith.constant 0 : i32
      %dma_wait3A_586 = tpu.memref_slice %arg4[%add3A_579, %dma_wait3A_585] : memref<819200x128xf32, #tpu.memory_space<hbm>> -> memref<128x128xf32, #tpu.memory_space<hbm>>
      %dma_wait3A_587 = arith.constant 0 : i32
      %dma_wait3A_588 = tpu.memref_slice %arg4[%add3A_579, %dma_wait3A_587] : memref<819200x128xf32, #tpu.memory_space<hbm>> -> memref<128x128xf32, #tpu.memory_space<hbm>>
      %dma_wait3A_589 = arith.constant 0 : i32
      %dma_wait3A_590 = arith.constant 0 : i32
      %dma_wait3A_591 = tpu.memref_slice %arg6[%dma_wait3A_580, %dma_wait3A_589, %dma_wait3A_590] : memref<5x128x128xf32, #tpu.memory_space<vmem>> -> memref<1x128x128xf32, #tpu.memory_space<vmem>>
      %dma_wait3A_592 = tpu.memref_squeeze %dma_wait3A_591 : memref<1x128x128xf32, #tpu.memory_space<vmem>> -> memref<128x128xf32, #tpu.memory_space<vmem>>
      tpu.wait_dma2 semaphore(%arg14 : memref<!tpu.dma_semaphore, #tpu.memory_space<semaphore_mem>>) src(%dma_wait3A_592 : memref<128x128xf32, #tpu.memory_space<vmem>>) dst(%dma_wait3A_588 : memref<128x128xf32, #tpu.memory_space<hbm>>)
      %mul3A_593 = arith.constant 128 : i32
      %mul3A_594 = arith.muli %add3A_574, %mul3A_593 : i32
      %add3A_595 = arith.addi %mul3A_2, %mul3A_594 : i32
      %dma_wait3A_596 = arith.constant 2 : i32
      %dma_wait3A_597 = arith.constant 0 : i32
      %dma_wait3A_598 = tpu.memref_slice %arg5[%dma_wait3A_596, %dma_wait3A_597] : memref<5x128xi32, #tpu.memory_space<vmem>> -> memref<1x128xi32, #tpu.memory_space<vmem>>
      %dma_wait3A_599 = tpu.memref_squeeze %dma_wait3A_598 : memref<1x128xi32, #tpu.memory_space<vmem>> -> memref<128xi32, #tpu.memory_space<vmem>>
      %dma_wait3A_600 = tpu.memref_slice %arg3[%add3A_595] : memref<819200xi32, #tpu.memory_space<hbm>> -> memref<128xi32, #tpu.memory_space<hbm>>
      %dma_wait3A_601 = arith.constant 0 : i32
      %dma_wait3A_602 = tpu.memref_slice %arg5[%dma_wait3A_596, %dma_wait3A_601] : memref<5x128xi32, #tpu.memory_space<vmem>> -> memref<1x128xi32, #tpu.memory_space<vmem>>
      %dma_wait3A_603 = tpu.memref_squeeze %dma_wait3A_602 : memref<1x128xi32, #tpu.memory_space<vmem>> -> memref<128xi32, #tpu.memory_space<vmem>>
      %dma_wait3A_604 = tpu.memref_slice %arg3[%add3A_595] : memref<819200xi32, #tpu.memory_space<hbm>> -> memref<128xi32, #tpu.memory_space<hbm>>
      tpu.wait_dma2 semaphore(%arg19 : memref<!tpu.dma_semaphore, #tpu.memory_space<semaphore_mem>>) src(%dma_wait3A_604 : memref<128xi32, #tpu.memory_space<hbm>>) dst(%dma_wait3A_603 : memref<128xi32, #tpu.memory_space<vmem>>)
      %dma_start3A_605 = arith.constant 2 : i32
      %dma_start3A_606 = arith.constant 2 : i32
      %dma_start3A_607 = arith.constant 0 : i32
      %dma_start3A_608 = arith.constant 0 : i32
      %dma_start3A_609 = tpu.memref_slice %arg6[%dma_start3A_606, %dma_start3A_607, %dma_start3A_608] : memref<5x128x128xf32, #tpu.memory_space<vmem>> -> memref<1x128x128xf32, #tpu.memory_space<vmem>>
      %dma_start3A_610 = tpu.memref_squeeze %dma_start3A_609 : memref<1x128x128xf32, #tpu.memory_space<vmem>> -> memref<128x128xf32, #tpu.memory_space<vmem>>
      %dma_start3A_611 = arith.constant 0 : i32
      %dma_start3A_612 = tpu.memref_slice %arg5[%dma_start3A_605, %dma_start3A_611] : memref<5x128xi32, #tpu.memory_space<vmem>> -> memref<1x128xi32, #tpu.memory_space<vmem>>
      %dma_start3A_613 = tpu.memref_squeeze %dma_start3A_612 : memref<1x128xi32, #tpu.memory_space<vmem>> -> memref<128xi32, #tpu.memory_space<vmem>>
      %dma_start3A_614 = arith.constant 0 : i32
      %dma_start3A_615 = arith.constant 0 : i32
      %dma_start3A_616 = tpu.memref_slice %arg2[%dma_start3A_614, %dma_start3A_615] : memref<1000000x128xf32, #tpu.memory_space<hbm>> -> memref<1000000x128xf32, #tpu.memory_space<hbm>>
      tpu.enqueue_indirect_dma source(%dma_start3A_616 : memref<1000000x128xf32, #tpu.memory_space<hbm>>) target(%dma_start3A_610 : memref<128x128xf32, #tpu.memory_space<vmem>>) offsets(%dma_start3A_613 : memref<128xi32, #tpu.memory_space<vmem>>) semaphore(%arg9 : memref<!tpu.dma_semaphore, #tpu.memory_space<semaphore_mem>>)
      %dma_wait3A_617 = arith.constant 4 : i32
      %dma_wait3A_618 = arith.constant 4 : i32
      %dma_wait3A_619 = arith.constant 0 : i32
      %dma_wait3A_620 = arith.constant 0 : i32
      %dma_wait3A_621 = tpu.memref_slice %arg6[%dma_wait3A_618, %dma_wait3A_619, %dma_wait3A_620] : memref<5x128x128xf32, #tpu.memory_space<vmem>> -> memref<1x128x128xf32, #tpu.memory_space<vmem>>
      %dma_wait3A_622 = tpu.memref_squeeze %dma_wait3A_621 : memref<1x128x128xf32, #tpu.memory_space<vmem>> -> memref<128x128xf32, #tpu.memory_space<vmem>>
      %dma_wait3A_623 = arith.constant 0 : i32
      %dma_wait3A_624 = tpu.memref_slice %arg5[%dma_wait3A_617, %dma_wait3A_623] : memref<5x128xi32, #tpu.memory_space<vmem>> -> memref<1x128xi32, #tpu.memory_space<vmem>>
      %dma_wait3A_625 = tpu.memref_squeeze %dma_wait3A_624 : memref<1x128xi32, #tpu.memory_space<vmem>> -> memref<128xi32, #tpu.memory_space<vmem>>
      %dma_wait3A_626 = arith.constant 0 : i32
      %dma_wait3A_627 = arith.constant 0 : i32
      %dma_wait3A_628 = tpu.memref_slice %arg2[%dma_wait3A_626, %dma_wait3A_627] : memref<1000000x128xf32, #tpu.memory_space<hbm>> -> memref<1000000x128xf32, #tpu.memory_space<hbm>>
      tpu.wait_indirect_dma semaphore(%arg11 : memref<!tpu.dma_semaphore, #tpu.memory_space<semaphore_mem>>) src(%dma_wait3A_628 : memref<1000000x128xf32, #tpu.memory_space<hbm>>) dst(%dma_wait3A_622 : memref<128x128xf32, #tpu.memory_space<vmem>>)
      %sub3A_629 = arith.constant 3 : i32
      %sub3A_630 = arith.subi %add3A_574, %sub3A_629 : i32
      %mul3A_631 = arith.constant 128 : i32
      %mul3A_632 = arith.muli %sub3A_630, %mul3A_631 : i32
      %add3A_633 = arith.addi %mul3A_2, %mul3A_632 : i32
      %dma_start3A_634 = arith.constant 4 : i32
      %dma_start3A_635 = arith.constant 0 : i32
      %dma_start3A_636 = arith.constant 0 : i32
      %dma_start3A_637 = tpu.memref_slice %arg6[%dma_start3A_634, %dma_start3A_635, %dma_start3A_636] : memref<5x128x128xf32, #tpu.memory_space<vmem>> -> memref<1x128x128xf32, #tpu.memory_space<vmem>>
      %dma_start3A_638 = tpu.memref_squeeze %dma_start3A_637 : memref<1x128x128xf32, #tpu.memory_space<vmem>> -> memref<128x128xf32, #tpu.memory_space<vmem>>
      %dma_start3A_639 = arith.constant 0 : i32
      %dma_start3A_640 = tpu.memref_slice %arg4[%add3A_633, %dma_start3A_639] : memref<819200x128xf32, #tpu.memory_space<hbm>> -> memref<128x128xf32, #tpu.memory_space<hbm>>
      %dma_start3A_641 = arith.constant 0 : i32
      %dma_start3A_642 = tpu.memref_slice %arg4[%add3A_633, %dma_start3A_641] : memref<819200x128xf32, #tpu.memory_space<hbm>> -> memref<128x128xf32, #tpu.memory_space<hbm>>
      %dma_start3A_643 = arith.constant 0 : i32
      %dma_start3A_644 = arith.constant 0 : i32
      %dma_start3A_645 = tpu.memref_slice %arg6[%dma_start3A_634, %dma_start3A_643, %dma_start3A_644] : memref<5x128x128xf32, #tpu.memory_space<vmem>> -> memref<1x128x128xf32, #tpu.memory_space<vmem>>
      %dma_start3A_646 = tpu.memref_squeeze %dma_start3A_645 : memref<1x128x128xf32, #tpu.memory_space<vmem>> -> memref<128x128xf32, #tpu.memory_space<vmem>>
      tpu.enqueue_dma source(%dma_start3A_646 : memref<128x128xf32, #tpu.memory_space<vmem>>) target(%dma_start3A_642 : memref<128x128xf32, #tpu.memory_space<hbm>>) target_semaphore(%arg16 : memref<!tpu.dma_semaphore, #tpu.memory_space<semaphore_mem>>)
      %add3A_647 = arith.constant 2 : i32
      %add3A_648 = arith.addi %add3A_574, %add3A_647 : i32
      %lt3A_649 = arith.constant 200 : i32
      %lt3A_650 = arith.cmpi slt, %add3A_648, %lt3A_649 : i32
      %convert_element_type3A_651 = arith.extui %lt3A_650 : i1 to i32
      %cond3A_652 = arith.constant 0 : i32
      %cond3A_653 = arith.cmpi ne, %convert_element_type3A_651, %cond3A_652 : i32
      scf.if %cond3A_653 {
        %add3A_820 = arith.constant 2 : i32
        %add3A_821 = arith.addi %add3A_574, %add3A_820 : i32
        %mul3A_822 = arith.constant 128 : i32
        %mul3A_823 = arith.muli %add3A_821, %mul3A_822 : i32
        %add3A_824 = arith.addi %mul3A_2, %mul3A_823 : i32
        %dma_start3A_825 = arith.constant 4 : i32
        %dma_start3A_826 = arith.constant 0 : i32
        %dma_start3A_827 = tpu.memref_slice %arg5[%dma_start3A_825, %dma_start3A_826] : memref<5x128xi32, #tpu.memory_space<vmem>> -> memref<1x128xi32, #tpu.memory_space<vmem>>
        %dma_start3A_828 = tpu.memref_squeeze %dma_start3A_827 : memref<1x128xi32, #tpu.memory_space<vmem>> -> memref<128xi32, #tpu.memory_space<vmem>>
        %dma_start3A_829 = tpu.memref_slice %arg3[%add3A_824] : memref<819200xi32, #tpu.memory_space<hbm>> -> memref<128xi32, #tpu.memory_space<hbm>>
        %dma_start3A_830 = arith.constant 0 : i32
        %dma_start3A_831 = tpu.memref_slice %arg5[%dma_start3A_825, %dma_start3A_830] : memref<5x128xi32, #tpu.memory_space<vmem>> -> memref<1x128xi32, #tpu.memory_space<vmem>>
        %dma_start3A_832 = tpu.memref_squeeze %dma_start3A_831 : memref<1x128xi32, #tpu.memory_space<vmem>> -> memref<128xi32, #tpu.memory_space<vmem>>
        %dma_start3A_833 = tpu.memref_slice %arg3[%add3A_824] : memref<819200xi32, #tpu.memory_space<hbm>> -> memref<128xi32, #tpu.memory_space<hbm>>
        tpu.enqueue_dma source(%dma_start3A_833 : memref<128xi32, #tpu.memory_space<hbm>>) target(%dma_start3A_832 : memref<128xi32, #tpu.memory_space<vmem>>) target_semaphore(%arg21 : memref<!tpu.dma_semaphore, #tpu.memory_space<semaphore_mem>>)
      } else {
      }
      %mul3A_654 = arith.constant 5 : i32
      %mul3A_655 = arith.muli %mul3A_654, %scan3A_408 : i32
      %add3A_656 = arith.constant 3 : i32
      %add3A_657 = arith.addi %mul3A_655, %add3A_656 : i32
      %sub3A_658 = arith.constant 5 : i32
      %sub3A_659 = arith.subi %add3A_657, %sub3A_658 : i32
      %mul3A_660 = arith.constant 128 : i32
      %mul3A_661 = arith.muli %sub3A_659, %mul3A_660 : i32
      %add3A_662 = arith.addi %mul3A_2, %mul3A_661 : i32
      %dma_wait3A_663 = arith.constant 3 : i32
      %dma_wait3A_664 = arith.constant 0 : i32
      %dma_wait3A_665 = arith.constant 0 : i32
      %dma_wait3A_666 = tpu.memref_slice %arg6[%dma_wait3A_663, %dma_wait3A_664, %dma_wait3A_665] : memref<5x128x128xf32, #tpu.memory_space<vmem>> -> memref<1x128x128xf32, #tpu.memory_space<vmem>>
      %dma_wait3A_667 = tpu.memref_squeeze %dma_wait3A_666 : memref<1x128x128xf32, #tpu.memory_space<vmem>> -> memref<128x128xf32, #tpu.memory_space<vmem>>
      %dma_wait3A_668 = arith.constant 0 : i32
      %dma_wait3A_669 = tpu.memref_slice %arg4[%add3A_662, %dma_wait3A_668] : memref<819200x128xf32, #tpu.memory_space<hbm>> -> memref<128x128xf32, #tpu.memory_space<hbm>>
      %dma_wait3A_670 = arith.constant 0 : i32
      %dma_wait3A_671 = tpu.memref_slice %arg4[%add3A_662, %dma_wait3A_670] : memref<819200x128xf32, #tpu.memory_space<hbm>> -> memref<128x128xf32, #tpu.memory_space<hbm>>
      %dma_wait3A_672 = arith.constant 0 : i32
      %dma_wait3A_673 = arith.constant 0 : i32
      %dma_wait3A_674 = tpu.memref_slice %arg6[%dma_wait3A_663, %dma_wait3A_672, %dma_wait3A_673] : memref<5x128x128xf32, #tpu.memory_space<vmem>> -> memref<1x128x128xf32, #tpu.memory_space<vmem>>
      %dma_wait3A_675 = tpu.memref_squeeze %dma_wait3A_674 : memref<1x128x128xf32, #tpu.memory_space<vmem>> -> memref<128x128xf32, #tpu.memory_space<vmem>>
      tpu.wait_dma2 semaphore(%arg15 : memref<!tpu.dma_semaphore, #tpu.memory_space<semaphore_mem>>) src(%dma_wait3A_675 : memref<128x128xf32, #tpu.memory_space<vmem>>) dst(%dma_wait3A_671 : memref<128x128xf32, #tpu.memory_space<hbm>>)
      %mul3A_676 = arith.constant 128 : i32
      %mul3A_677 = arith.muli %add3A_657, %mul3A_676 : i32
      %add3A_678 = arith.addi %mul3A_2, %mul3A_677 : i32
      %dma_wait3A_679 = arith.constant 3 : i32
      %dma_wait3A_680 = arith.constant 0 : i32
      %dma_wait3A_681 = tpu.memref_slice %arg5[%dma_wait3A_679, %dma_wait3A_680] : memref<5x128xi32, #tpu.memory_space<vmem>> -> memref<1x128xi32, #tpu.memory_space<vmem>>
      %dma_wait3A_682 = tpu.memref_squeeze %dma_wait3A_681 : memref<1x128xi32, #tpu.memory_space<vmem>> -> memref<128xi32, #tpu.memory_space<vmem>>
      %dma_wait3A_683 = tpu.memref_slice %arg3[%add3A_678] : memref<819200xi32, #tpu.memory_space<hbm>> -> memref<128xi32, #tpu.memory_space<hbm>>
      %dma_wait3A_684 = arith.constant 0 : i32
      %dma_wait3A_685 = tpu.memref_slice %arg5[%dma_wait3A_679, %dma_wait3A_684] : memref<5x128xi32, #tpu.memory_space<vmem>> -> memref<1x128xi32, #tpu.memory_space<vmem>>
      %dma_wait3A_686 = tpu.memref_squeeze %dma_wait3A_685 : memref<1x128xi32, #tpu.memory_space<vmem>> -> memref<128xi32, #tpu.memory_space<vmem>>
      %dma_wait3A_687 = tpu.memref_slice %arg3[%add3A_678] : memref<819200xi32, #tpu.memory_space<hbm>> -> memref<128xi32, #tpu.memory_space<hbm>>
      tpu.wait_dma2 semaphore(%arg20 : memref<!tpu.dma_semaphore, #tpu.memory_space<semaphore_mem>>) src(%dma_wait3A_687 : memref<128xi32, #tpu.memory_space<hbm>>) dst(%dma_wait3A_686 : memref<128xi32, #tpu.memory_space<vmem>>)
      %dma_start3A_688 = arith.constant 3 : i32
      %dma_start3A_689 = arith.constant 3 : i32
      %dma_start3A_690 = arith.constant 0 : i32
      %dma_start3A_691 = arith.constant 0 : i32
      %dma_start3A_692 = tpu.memref_slice %arg6[%dma_start3A_689, %dma_start3A_690, %dma_start3A_691] : memref<5x128x128xf32, #tpu.memory_space<vmem>> -> memref<1x128x128xf32, #tpu.memory_space<vmem>>
      %dma_start3A_693 = tpu.memref_squeeze %dma_start3A_692 : memref<1x128x128xf32, #tpu.memory_space<vmem>> -> memref<128x128xf32, #tpu.memory_space<vmem>>
      %dma_start3A_694 = arith.constant 0 : i32
      %dma_start3A_695 = tpu.memref_slice %arg5[%dma_start3A_688, %dma_start3A_694] : memref<5x128xi32, #tpu.memory_space<vmem>> -> memref<1x128xi32, #tpu.memory_space<vmem>>
      %dma_start3A_696 = tpu.memref_squeeze %dma_start3A_695 : memref<1x128xi32, #tpu.memory_space<vmem>> -> memref<128xi32, #tpu.memory_space<vmem>>
      %dma_start3A_697 = arith.constant 0 : i32
      %dma_start3A_698 = arith.constant 0 : i32
      %dma_start3A_699 = tpu.memref_slice %arg2[%dma_start3A_697, %dma_start3A_698] : memref<1000000x128xf32, #tpu.memory_space<hbm>> -> memref<1000000x128xf32, #tpu.memory_space<hbm>>
      tpu.enqueue_indirect_dma source(%dma_start3A_699 : memref<1000000x128xf32, #tpu.memory_space<hbm>>) target(%dma_start3A_693 : memref<128x128xf32, #tpu.memory_space<vmem>>) offsets(%dma_start3A_696 : memref<128xi32, #tpu.memory_space<vmem>>) semaphore(%arg10 : memref<!tpu.dma_semaphore, #tpu.memory_space<semaphore_mem>>)
      %dma_wait3A_700 = arith.constant 0 : i32
      %dma_wait3A_701 = arith.constant 0 : i32
      %dma_wait3A_702 = arith.constant 0 : i32
      %dma_wait3A_703 = arith.constant 0 : i32
      %dma_wait3A_704 = tpu.memref_slice %arg6[%dma_wait3A_701, %dma_wait3A_702, %dma_wait3A_703] : memref<5x128x128xf32, #tpu.memory_space<vmem>> -> memref<1x128x128xf32, #tpu.memory_space<vmem>>
      %dma_wait3A_705 = tpu.memref_squeeze %dma_wait3A_704 : memref<1x128x128xf32, #tpu.memory_space<vmem>> -> memref<128x128xf32, #tpu.memory_space<vmem>>
      %dma_wait3A_706 = arith.constant 0 : i32
      %dma_wait3A_707 = tpu.memref_slice %arg5[%dma_wait3A_700, %dma_wait3A_706] : memref<5x128xi32, #tpu.memory_space<vmem>> -> memref<1x128xi32, #tpu.memory_space<vmem>>
      %dma_wait3A_708 = tpu.memref_squeeze %dma_wait3A_707 : memref<1x128xi32, #tpu.memory_space<vmem>> -> memref<128xi32, #tpu.memory_space<vmem>>
      %dma_wait3A_709 = arith.constant 0 : i32
      %dma_wait3A_710 = arith.constant 0 : i32
      %dma_wait3A_711 = tpu.memref_slice %arg2[%dma_wait3A_709, %dma_wait3A_710] : memref<1000000x128xf32, #tpu.memory_space<hbm>> -> memref<1000000x128xf32, #tpu.memory_space<hbm>>
      tpu.wait_indirect_dma semaphore(%arg7 : memref<!tpu.dma_semaphore, #tpu.memory_space<semaphore_mem>>) src(%dma_wait3A_711 : memref<1000000x128xf32, #tpu.memory_space<hbm>>) dst(%dma_wait3A_705 : memref<128x128xf32, #tpu.memory_space<vmem>>)
      %sub3A_712 = arith.constant 3 : i32
      %sub3A_713 = arith.subi %add3A_657, %sub3A_712 : i32
      %mul3A_714 = arith.constant 128 : i32
      %mul3A_715 = arith.muli %sub3A_713, %mul3A_714 : i32
      %add3A_716 = arith.addi %mul3A_2, %mul3A_715 : i32
      %dma_start3A_717 = arith.constant 0 : i32
      %dma_start3A_718 = arith.constant 0 : i32
      %dma_start3A_719 = arith.constant 0 : i32
      %dma_start3A_720 = tpu.memref_slice %arg6[%dma_start3A_717, %dma_start3A_718, %dma_start3A_719] : memref<5x128x128xf32, #tpu.memory_space<vmem>> -> memref<1x128x128xf32, #tpu.memory_space<vmem>>
      %dma_start3A_721 = tpu.memref_squeeze %dma_start3A_720 : memref<1x128x128xf32, #tpu.memory_space<vmem>> -> memref<128x128xf32, #tpu.memory_space<vmem>>
      %dma_start3A_722 = arith.constant 0 : i32
      %dma_start3A_723 = tpu.memref_slice %arg4[%add3A_716, %dma_start3A_722] : memref<819200x128xf32, #tpu.memory_space<hbm>> -> memref<128x128xf32, #tpu.memory_space<hbm>>
      %dma_start3A_724 = arith.constant 0 : i32
      %dma_start3A_725 = tpu.memref_slice %arg4[%add3A_716, %dma_start3A_724] : memref<819200x128xf32, #tpu.memory_space<hbm>> -> memref<128x128xf32, #tpu.memory_space<hbm>>
      %dma_start3A_726 = arith.constant 0 : i32
      %dma_start3A_727 = arith.constant 0 : i32
      %dma_start3A_728 = tpu.memref_slice %arg6[%dma_start3A_717, %dma_start3A_726, %dma_start3A_727] : memref<5x128x128xf32, #tpu.memory_space<vmem>> -> memref<1x128x128xf32, #tpu.memory_space<vmem>>
      %dma_start3A_729 = tpu.memref_squeeze %dma_start3A_728 : memref<1x128x128xf32, #tpu.memory_space<vmem>> -> memref<128x128xf32, #tpu.memory_space<vmem>>
      tpu.enqueue_dma source(%dma_start3A_729 : memref<128x128xf32, #tpu.memory_space<vmem>>) target(%dma_start3A_725 : memref<128x128xf32, #tpu.memory_space<hbm>>) target_semaphore(%arg12 : memref<!tpu.dma_semaphore, #tpu.memory_space<semaphore_mem>>)
      %add3A_730 = arith.constant 2 : i32
      %add3A_731 = arith.addi %add3A_657, %add3A_730 : i32
      %lt3A_732 = arith.constant 200 : i32
      %lt3A_733 = arith.cmpi slt, %add3A_731, %lt3A_732 : i32
      %convert_element_type3A_734 = arith.extui %lt3A_733 : i1 to i32
      %cond3A_735 = arith.constant 0 : i32
      %cond3A_736 = arith.cmpi ne, %convert_element_type3A_734, %cond3A_735 : i32
      scf.if %cond3A_736 {
        %add3A_820 = arith.constant 2 : i32
        %add3A_821 = arith.addi %add3A_657, %add3A_820 : i32
        %mul3A_822 = arith.constant 128 : i32
        %mul3A_823 = arith.muli %add3A_821, %mul3A_822 : i32
        %add3A_824 = arith.addi %mul3A_2, %mul3A_823 : i32
        %dma_start3A_825 = arith.constant 0 : i32
        %dma_start3A_826 = arith.constant 0 : i32
        %dma_start3A_827 = tpu.memref_slice %arg5[%dma_start3A_825, %dma_start3A_826] : memref<5x128xi32, #tpu.memory_space<vmem>> -> memref<1x128xi32, #tpu.memory_space<vmem>>
        %dma_start3A_828 = tpu.memref_squeeze %dma_start3A_827 : memref<1x128xi32, #tpu.memory_space<vmem>> -> memref<128xi32, #tpu.memory_space<vmem>>
        %dma_start3A_829 = tpu.memref_slice %arg3[%add3A_824] : memref<819200xi32, #tpu.memory_space<hbm>> -> memref<128xi32, #tpu.memory_space<hbm>>
        %dma_start3A_830 = arith.constant 0 : i32
        %dma_start3A_831 = tpu.memref_slice %arg5[%dma_start3A_825, %dma_start3A_830] : memref<5x128xi32, #tpu.memory_space<vmem>> -> memref<1x128xi32, #tpu.memory_space<vmem>>
        %dma_start3A_832 = tpu.memref_squeeze %dma_start3A_831 : memref<1x128xi32, #tpu.memory_space<vmem>> -> memref<128xi32, #tpu.memory_space<vmem>>
        %dma_start3A_833 = tpu.memref_slice %arg3[%add3A_824] : memref<819200xi32, #tpu.memory_space<hbm>> -> memref<128xi32, #tpu.memory_space<hbm>>
        tpu.enqueue_dma source(%dma_start3A_833 : memref<128xi32, #tpu.memory_space<hbm>>) target(%dma_start3A_832 : memref<128xi32, #tpu.memory_space<vmem>>) target_semaphore(%arg17 : memref<!tpu.dma_semaphore, #tpu.memory_space<semaphore_mem>>)
      } else {
      }
      %mul3A_737 = arith.constant 5 : i32
      %mul3A_738 = arith.muli %mul3A_737, %scan3A_408 : i32
      %add3A_739 = arith.constant 4 : i32
      %add3A_740 = arith.addi %mul3A_738, %add3A_739 : i32
      %sub3A_741 = arith.constant 5 : i32
      %sub3A_742 = arith.subi %add3A_740, %sub3A_741 : i32
      %mul3A_743 = arith.constant 128 : i32
      %mul3A_744 = arith.muli %sub3A_742, %mul3A_743 : i32
      %add3A_745 = arith.addi %mul3A_2, %mul3A_744 : i32
      %dma_wait3A_746 = arith.constant 4 : i32
      %dma_wait3A_747 = arith.constant 0 : i32
      %dma_wait3A_748 = arith.constant 0 : i32
      %dma_wait3A_749 = tpu.memref_slice %arg6[%dma_wait3A_746, %dma_wait3A_747, %dma_wait3A_748] : memref<5x128x128xf32, #tpu.memory_space<vmem>> -> memref<1x128x128xf32, #tpu.memory_space<vmem>>
      %dma_wait3A_750 = tpu.memref_squeeze %dma_wait3A_749 : memref<1x128x128xf32, #tpu.memory_space<vmem>> -> memref<128x128xf32, #tpu.memory_space<vmem>>
      %dma_wait3A_751 = arith.constant 0 : i32
      %dma_wait3A_752 = tpu.memref_slice %arg4[%add3A_745, %dma_wait3A_751] : memref<819200x128xf32, #tpu.memory_space<hbm>> -> memref<128x128xf32, #tpu.memory_space<hbm>>
      %dma_wait3A_753 = arith.constant 0 : i32
      %dma_wait3A_754 = tpu.memref_slice %arg4[%add3A_745, %dma_wait3A_753] : memref<819200x128xf32, #tpu.memory_space<hbm>> -> memref<128x128xf32, #tpu.memory_space<hbm>>
      %dma_wait3A_755 = arith.constant 0 : i32
      %dma_wait3A_756 = arith.constant 0 : i32
      %dma_wait3A_757 = tpu.memref_slice %arg6[%dma_wait3A_746, %dma_wait3A_755, %dma_wait3A_756] : memref<5x128x128xf32, #tpu.memory_space<vmem>> -> memref<1x128x128xf32, #tpu.memory_space<vmem>>
      %dma_wait3A_758 = tpu.memref_squeeze %dma_wait3A_757 : memref<1x128x128xf32, #tpu.memory_space<vmem>> -> memref<128x128xf32, #tpu.memory_space<vmem>>
      tpu.wait_dma2 semaphore(%arg16 : memref<!tpu.dma_semaphore, #tpu.memory_space<semaphore_mem>>) src(%dma_wait3A_758 : memref<128x128xf32, #tpu.memory_space<vmem>>) dst(%dma_wait3A_754 : memref<128x128xf32, #tpu.memory_space<hbm>>)
      %mul3A_759 = arith.constant 128 : i32
      %mul3A_760 = arith.muli %add3A_740, %mul3A_759 : i32
      %add3A_761 = arith.addi %mul3A_2, %mul3A_760 : i32
      %dma_wait3A_762 = arith.constant 4 : i32
      %dma_wait3A_763 = arith.constant 0 : i32
      %dma_wait3A_764 = tpu.memref_slice %arg5[%dma_wait3A_762, %dma_wait3A_763] : memref<5x128xi32, #tpu.memory_space<vmem>> -> memref<1x128xi32, #tpu.memory_space<vmem>>
      %dma_wait3A_765 = tpu.memref_squeeze %dma_wait3A_764 : memref<1x128xi32, #tpu.memory_space<vmem>> -> memref<128xi32, #tpu.memory_space<vmem>>
      %dma_wait3A_766 = tpu.memref_slice %arg3[%add3A_761] : memref<819200xi32, #tpu.memory_space<hbm>> -> memref<128xi32, #tpu.memory_space<hbm>>
      %dma_wait3A_767 = arith.constant 0 : i32
      %dma_wait3A_768 = tpu.memref_slice %arg5[%dma_wait3A_762, %dma_wait3A_767] : memref<5x128xi32, #tpu.memory_space<vmem>> -> memref<1x128xi32, #tpu.memory_space<vmem>>
      %dma_wait3A_769 = tpu.memref_squeeze %dma_wait3A_768 : memref<1x128xi32, #tpu.memory_space<vmem>> -> memref<128xi32, #tpu.memory_space<vmem>>
      %dma_wait3A_770 = tpu.memref_slice %arg3[%add3A_761] : memref<819200xi32, #tpu.memory_space<hbm>> -> memref<128xi32, #tpu.memory_space<hbm>>
      tpu.wait_dma2 semaphore(%arg21 : memref<!tpu.dma_semaphore, #tpu.memory_space<semaphore_mem>>) src(%dma_wait3A_770 : memref<128xi32, #tpu.memory_space<hbm>>) dst(%dma_wait3A_769 : memref<128xi32, #tpu.memory_space<vmem>>)
      %dma_start3A_771 = arith.constant 4 : i32
      %dma_start3A_772 = arith.constant 4 : i32
      %dma_start3A_773 = arith.constant 0 : i32
      %dma_start3A_774 = arith.constant 0 : i32
      %dma_start3A_775 = tpu.memref_slice %arg6[%dma_start3A_772, %dma_start3A_773, %dma_start3A_774] : memref<5x128x128xf32, #tpu.memory_space<vmem>> -> memref<1x128x128xf32, #tpu.memory_space<vmem>>
      %dma_start3A_776 = tpu.memref_squeeze %dma_start3A_775 : memref<1x128x128xf32, #tpu.memory_space<vmem>> -> memref<128x128xf32, #tpu.memory_space<vmem>>
      %dma_start3A_777 = arith.constant 0 : i32
      %dma_start3A_778 = tpu.memref_slice %arg5[%dma_start3A_771, %dma_start3A_777] : memref<5x128xi32, #tpu.memory_space<vmem>> -> memref<1x128xi32, #tpu.memory_space<vmem>>
      %dma_start3A_779 = tpu.memref_squeeze %dma_start3A_778 : memref<1x128xi32, #tpu.memory_space<vmem>> -> memref<128xi32, #tpu.memory_space<vmem>>
      %dma_start3A_780 = arith.constant 0 : i32
      %dma_start3A_781 = arith.constant 0 : i32
      %dma_start3A_782 = tpu.memref_slice %arg2[%dma_start3A_780, %dma_start3A_781] : memref<1000000x128xf32, #tpu.memory_space<hbm>> -> memref<1000000x128xf32, #tpu.memory_space<hbm>>
      tpu.enqueue_indirect_dma source(%dma_start3A_782 : memref<1000000x128xf32, #tpu.memory_space<hbm>>) target(%dma_start3A_776 : memref<128x128xf32, #tpu.memory_space<vmem>>) offsets(%dma_start3A_779 : memref<128xi32, #tpu.memory_space<vmem>>) semaphore(%arg11 : memref<!tpu.dma_semaphore, #tpu.memory_space<semaphore_mem>>)
      %dma_wait3A_783 = arith.constant 1 : i32
      %dma_wait3A_784 = arith.constant 1 : i32
      %dma_wait3A_785 = arith.constant 0 : i32
      %dma_wait3A_786 = arith.constant 0 : i32
      %dma_wait3A_787 = tpu.memref_slice %arg6[%dma_wait3A_784, %dma_wait3A_785, %dma_wait3A_786] : memref<5x128x128xf32, #tpu.memory_space<vmem>> -> memref<1x128x128xf32, #tpu.memory_space<vmem>>
      %dma_wait3A_788 = tpu.memref_squeeze %dma_wait3A_787 : memref<1x128x128xf32, #tpu.memory_space<vmem>> -> memref<128x128xf32, #tpu.memory_space<vmem>>
      %dma_wait3A_789 = arith.constant 0 : i32
      %dma_wait3A_790 = tpu.memref_slice %arg5[%dma_wait3A_783, %dma_wait3A_789] : memref<5x128xi32, #tpu.memory_space<vmem>> -> memref<1x128xi32, #tpu.memory_space<vmem>>
      %dma_wait3A_791 = tpu.memref_squeeze %dma_wait3A_790 : memref<1x128xi32, #tpu.memory_space<vmem>> -> memref<128xi32, #tpu.memory_space<vmem>>
      %dma_wait3A_792 = arith.constant 0 : i32
      %dma_wait3A_793 = arith.constant 0 : i32
      %dma_wait3A_794 = tpu.memref_slice %arg2[%dma_wait3A_792, %dma_wait3A_793] : memref<1000000x128xf32, #tpu.memory_space<hbm>> -> memref<1000000x128xf32, #tpu.memory_space<hbm>>
      tpu.wait_indirect_dma semaphore(%arg8 : memref<!tpu.dma_semaphore, #tpu.memory_space<semaphore_mem>>) src(%dma_wait3A_794 : memref<1000000x128xf32, #tpu.memory_space<hbm>>) dst(%dma_wait3A_788 : memref<128x128xf32, #tpu.memory_space<vmem>>)
      %sub3A_795 = arith.constant 3 : i32
      %sub3A_796 = arith.subi %add3A_740, %sub3A_795 : i32
      %mul3A_797 = arith.constant 128 : i32
      %mul3A_798 = arith.muli %sub3A_796, %mul3A_797 : i32
      %add3A_799 = arith.addi %mul3A_2, %mul3A_798 : i32
      %dma_start3A_800 = arith.constant 1 : i32
      %dma_start3A_801 = arith.constant 0 : i32
      %dma_start3A_802 = arith.constant 0 : i32
      %dma_start3A_803 = tpu.memref_slice %arg6[%dma_start3A_800, %dma_start3A_801, %dma_start3A_802] : memref<5x128x128xf32, #tpu.memory_space<vmem>> -> memref<1x128x128xf32, #tpu.memory_space<vmem>>
      %dma_start3A_804 = tpu.memref_squeeze %dma_start3A_803 : memref<1x128x128xf32, #tpu.memory_space<vmem>> -> memref<128x128xf32, #tpu.memory_space<vmem>>
      %dma_start3A_805 = arith.constant 0 : i32
      %dma_start3A_806 = tpu.memref_slice %arg4[%add3A_799, %dma_start3A_805] : memref<819200x128xf32, #tpu.memory_space<hbm>> -> memref<128x128xf32, #tpu.memory_space<hbm>>
      %dma_start3A_807 = arith.constant 0 : i32
      %dma_start3A_808 = tpu.memref_slice %arg4[%add3A_799, %dma_start3A_807] : memref<819200x128xf32, #tpu.memory_space<hbm>> -> memref<128x128xf32, #tpu.memory_space<hbm>>
      %dma_start3A_809 = arith.constant 0 : i32
      %dma_start3A_810 = arith.constant 0 : i32
      %dma_start3A_811 = tpu.memref_slice %arg6[%dma_start3A_800, %dma_start3A_809, %dma_start3A_810] : memref<5x128x128xf32, #tpu.memory_space<vmem>> -> memref<1x128x128xf32, #tpu.memory_space<vmem>>
      %dma_start3A_812 = tpu.memref_squeeze %dma_start3A_811 : memref<1x128x128xf32, #tpu.memory_space<vmem>> -> memref<128x128xf32, #tpu.memory_space<vmem>>
      tpu.enqueue_dma source(%dma_start3A_812 : memref<128x128xf32, #tpu.memory_space<vmem>>) target(%dma_start3A_808 : memref<128x128xf32, #tpu.memory_space<hbm>>) target_semaphore(%arg13 : memref<!tpu.dma_semaphore, #tpu.memory_space<semaphore_mem>>)
      %add3A_813 = arith.constant 2 : i32
      %add3A_814 = arith.addi %add3A_740, %add3A_813 : i32
      %lt3A_815 = arith.constant 200 : i32
      %lt3A_816 = arith.cmpi slt, %add3A_814, %lt3A_815 : i32
      %convert_element_type3A_817 = arith.extui %lt3A_816 : i1 to i32
      %cond3A_818 = arith.constant 0 : i32
      %cond3A_819 = arith.cmpi ne, %convert_element_type3A_817, %cond3A_818 : i32
      scf.if %cond3A_819 {
        %add3A_820 = arith.constant 2 : i32
        %add3A_821 = arith.addi %add3A_740, %add3A_820 : i32
        %mul3A_822 = arith.constant 128 : i32
        %mul3A_823 = arith.muli %add3A_821, %mul3A_822 : i32
        %add3A_824 = arith.addi %mul3A_2, %mul3A_823 : i32
        %dma_start3A_825 = arith.constant 1 : i32
        %dma_start3A_826 = arith.constant 0 : i32
        %dma_start3A_827 = tpu.memref_slice %arg5[%dma_start3A_825, %dma_start3A_826] : memref<5x128xi32, #tpu.memory_space<vmem>> -> memref<1x128xi32, #tpu.memory_space<vmem>>
        %dma_start3A_828 = tpu.memref_squeeze %dma_start3A_827 : memref<1x128xi32, #tpu.memory_space<vmem>> -> memref<128xi32, #tpu.memory_space<vmem>>
        %dma_start3A_829 = tpu.memref_slice %arg3[%add3A_824] : memref<819200xi32, #tpu.memory_space<hbm>> -> memref<128xi32, #tpu.memory_space<hbm>>
        %dma_start3A_830 = arith.constant 0 : i32
        %dma_start3A_831 = tpu.memref_slice %arg5[%dma_start3A_825, %dma_start3A_830] : memref<5x128xi32, #tpu.memory_space<vmem>> -> memref<1x128xi32, #tpu.memory_space<vmem>>
        %dma_start3A_832 = tpu.memref_squeeze %dma_start3A_831 : memref<1x128xi32, #tpu.memory_space<vmem>> -> memref<128xi32, #tpu.memory_space<vmem>>
        %dma_start3A_833 = tpu.memref_slice %arg3[%add3A_824] : memref<819200xi32, #tpu.memory_space<hbm>> -> memref<128xi32, #tpu.memory_space<hbm>>
        tpu.enqueue_dma source(%dma_start3A_833 : memref<128xi32, #tpu.memory_space<hbm>>) target(%dma_start3A_832 : memref<128xi32, #tpu.memory_space<vmem>>) target_semaphore(%arg18 : memref<!tpu.dma_semaphore, #tpu.memory_space<semaphore_mem>>)
      } else {
      }
    }
    %scan3A_251 = arith.constant 39 : i32
    %dma_wait3A_252 = arith.constant 2 : i32
    %dma_wait3A_253 = arith.constant 2 : i32
    %dma_wait3A_254 = arith.constant 0 : i32
    %dma_wait3A_255 = arith.constant 0 : i32
    %dma_wait3A_256 = tpu.memref_slice %arg6[%dma_wait3A_253, %dma_wait3A_254, %dma_wait3A_255] : memref<5x128x128xf32, #tpu.memory_space<vmem>> -> memref<1x128x128xf32, #tpu.memory_space<vmem>>
    %dma_wait3A_257 = tpu.memref_squeeze %dma_wait3A_256 : memref<1x128x128xf32, #tpu.memory_space<vmem>> -> memref<128x128xf32, #tpu.memory_space<vmem>>
    %dma_wait3A_258 = arith.constant 0 : i32
    %dma_wait3A_259 = tpu.memref_slice %arg5[%dma_wait3A_252, %dma_wait3A_258] : memref<5x128xi32, #tpu.memory_space<vmem>> -> memref<1x128xi32, #tpu.memory_space<vmem>>
    %dma_wait3A_260 = tpu.memref_squeeze %dma_wait3A_259 : memref<1x128xi32, #tpu.memory_space<vmem>> -> memref<128xi32, #tpu.memory_space<vmem>>
    %dma_wait3A_261 = arith.constant 0 : i32
    %dma_wait3A_262 = arith.constant 0 : i32
    %dma_wait3A_263 = tpu.memref_slice %arg2[%dma_wait3A_261, %dma_wait3A_262] : memref<1000000x128xf32, #tpu.memory_space<hbm>> -> memref<1000000x128xf32, #tpu.memory_space<hbm>>
    tpu.wait_indirect_dma semaphore(%arg9 : memref<!tpu.dma_semaphore, #tpu.memory_space<semaphore_mem>>) src(%dma_wait3A_263 : memref<1000000x128xf32, #tpu.memory_space<hbm>>) dst(%dma_wait3A_257 : memref<128x128xf32, #tpu.memory_space<vmem>>)
    %add3A_264 = arith.constant 25216 : i32
    %add3A_265 = arith.addi %mul3A_2, %add3A_264 : i32
    %dma_start3A_266 = arith.constant 2 : i32
    %dma_start3A_267 = arith.constant 0 : i32
    %dma_start3A_268 = arith.constant 0 : i32
    %dma_start3A_269 = tpu.memref_slice %arg6[%dma_start3A_266, %dma_start3A_267, %dma_start3A_268] : memref<5x128x128xf32, #tpu.memory_space<vmem>> -> memref<1x128x128xf32, #tpu.memory_space<vmem>>
    %dma_start3A_270 = tpu.memref_squeeze %dma_start3A_269 : memref<1x128x128xf32, #tpu.memory_space<vmem>> -> memref<128x128xf32, #tpu.memory_space<vmem>>
    %dma_start3A_271 = arith.constant 0 : i32
    %dma_start3A_272 = tpu.memref_slice %arg4[%add3A_265, %dma_start3A_271] : memref<819200x128xf32, #tpu.memory_space<hbm>> -> memref<128x128xf32, #tpu.memory_space<hbm>>
    %dma_start3A_273 = arith.constant 0 : i32
    %dma_start3A_274 = tpu.memref_slice %arg4[%add3A_265, %dma_start3A_273] : memref<819200x128xf32, #tpu.memory_space<hbm>> -> memref<128x128xf32, #tpu.memory_space<hbm>>
    %dma_start3A_275 = arith.constant 0 : i32
    %dma_start3A_276 = arith.constant 0 : i32
    %dma_start3A_277 = tpu.memref_slice %arg6[%dma_start3A_266, %dma_start3A_275, %dma_start3A_276] : memref<5x128x128xf32, #tpu.memory_space<vmem>> -> memref<1x128x128xf32, #tpu.memory_space<vmem>>
    %dma_start3A_278 = tpu.memref_squeeze %dma_start3A_277 : memref<1x128x128xf32, #tpu.memory_space<vmem>> -> memref<128x128xf32, #tpu.memory_space<vmem>>
    tpu.enqueue_dma source(%dma_start3A_278 : memref<128x128xf32, #tpu.memory_space<vmem>>) target(%dma_start3A_274 : memref<128x128xf32, #tpu.memory_space<hbm>>) target_semaphore(%arg14 : memref<!tpu.dma_semaphore, #tpu.memory_space<semaphore_mem>>)
    %dma_wait3A_279 = arith.constant 3 : i32
    %dma_wait3A_280 = arith.constant 3 : i32
    %dma_wait3A_281 = arith.constant 0 : i32
    %dma_wait3A_282 = arith.constant 0 : i32
    %dma_wait3A_283 = tpu.memref_slice %arg6[%dma_wait3A_280, %dma_wait3A_281, %dma_wait3A_282] : memref<5x128x128xf32, #tpu.memory_space<vmem>> -> memref<1x128x128xf32, #tpu.memory_space<vmem>>
    %dma_wait3A_284 = tpu.memref_squeeze %dma_wait3A_283 : memref<1x128x128xf32, #tpu.memory_space<vmem>> -> memref<128x128xf32, #tpu.memory_space<vmem>>
    %dma_wait3A_285 = arith.constant 0 : i32
    %dma_wait3A_286 = tpu.memref_slice %arg5[%dma_wait3A_279, %dma_wait3A_285] : memref<5x128xi32, #tpu.memory_space<vmem>> -> memref<1x128xi32, #tpu.memory_space<vmem>>
    %dma_wait3A_287 = tpu.memref_squeeze %dma_wait3A_286 : memref<1x128xi32, #tpu.memory_space<vmem>> -> memref<128xi32, #tpu.memory_space<vmem>>
    %dma_wait3A_288 = arith.constant 0 : i32
    %dma_wait3A_289 = arith.constant 0 : i32
    %dma_wait3A_290 = tpu.memref_slice %arg2[%dma_wait3A_288, %dma_wait3A_289] : memref<1000000x128xf32, #tpu.memory_space<hbm>> -> memref<1000000x128xf32, #tpu.memory_space<hbm>>
    tpu.wait_indirect_dma semaphore(%arg10 : memref<!tpu.dma_semaphore, #tpu.memory_space<semaphore_mem>>) src(%dma_wait3A_290 : memref<1000000x128xf32, #tpu.memory_space<hbm>>) dst(%dma_wait3A_284 : memref<128x128xf32, #tpu.memory_space<vmem>>)
    %add3A_291 = arith.constant 25344 : i32
    %add3A_292 = arith.addi %mul3A_2, %add3A_291 : i32
    %dma_start3A_293 = arith.constant 3 : i32
    %dma_start3A_294 = arith.constant 0 : i32
    %dma_start3A_295 = arith.constant 0 : i32
    %dma_start3A_296 = tpu.memref_slice %arg6[%dma_start3A_293, %dma_start3A_294, %dma_start3A_295] : memref<5x128x128xf32, #tpu.memory_space<vmem>> -> memref<1x128x128xf32, #tpu.memory_space<vmem>>
    %dma_start3A_297 = tpu.memref_squeeze %dma_start3A_296 : memref<1x128x128xf32, #tpu.memory_space<vmem>> -> memref<128x128xf32, #tpu.memory_space<vmem>>
    %dma_start3A_298 = arith.constant 0 : i32
    %dma_start3A_299 = tpu.memref_slice %arg4[%add3A_292, %dma_start3A_298] : memref<819200x128xf32, #tpu.memory_space<hbm>> -> memref<128x128xf32, #tpu.memory_space<hbm>>
    %dma_start3A_300 = arith.constant 0 : i32
    %dma_start3A_301 = tpu.memref_slice %arg4[%add3A_292, %dma_start3A_300] : memref<819200x128xf32, #tpu.memory_space<hbm>> -> memref<128x128xf32, #tpu.memory_space<hbm>>
    %dma_start3A_302 = arith.constant 0 : i32
    %dma_start3A_303 = arith.constant 0 : i32
    %dma_start3A_304 = tpu.memref_slice %arg6[%dma_start3A_293, %dma_start3A_302, %dma_start3A_303] : memref<5x128x128xf32, #tpu.memory_space<vmem>> -> memref<1x128x128xf32, #tpu.memory_space<vmem>>
    %dma_start3A_305 = tpu.memref_squeeze %dma_start3A_304 : memref<1x128x128xf32, #tpu.memory_space<vmem>> -> memref<128x128xf32, #tpu.memory_space<vmem>>
    tpu.enqueue_dma source(%dma_start3A_305 : memref<128x128xf32, #tpu.memory_space<vmem>>) target(%dma_start3A_301 : memref<128x128xf32, #tpu.memory_space<hbm>>) target_semaphore(%arg15 : memref<!tpu.dma_semaphore, #tpu.memory_space<semaphore_mem>>)
    %dma_wait3A_306 = arith.constant 4 : i32
    %dma_wait3A_307 = arith.constant 4 : i32
    %dma_wait3A_308 = arith.constant 0 : i32
    %dma_wait3A_309 = arith.constant 0 : i32
    %dma_wait3A_310 = tpu.memref_slice %arg6[%dma_wait3A_307, %dma_wait3A_308, %dma_wait3A_309] : memref<5x128x128xf32, #tpu.memory_space<vmem>> -> memref<1x128x128xf32, #tpu.memory_space<vmem>>
    %dma_wait3A_311 = tpu.memref_squeeze %dma_wait3A_310 : memref<1x128x128xf32, #tpu.memory_space<vmem>> -> memref<128x128xf32, #tpu.memory_space<vmem>>
    %dma_wait3A_312 = arith.constant 0 : i32
    %dma_wait3A_313 = tpu.memref_slice %arg5[%dma_wait3A_306, %dma_wait3A_312] : memref<5x128xi32, #tpu.memory_space<vmem>> -> memref<1x128xi32, #tpu.memory_space<vmem>>
    %dma_wait3A_314 = tpu.memref_squeeze %dma_wait3A_313 : memref<1x128xi32, #tpu.memory_space<vmem>> -> memref<128xi32, #tpu.memory_space<vmem>>
    %dma_wait3A_315 = arith.constant 0 : i32
    %dma_wait3A_316 = arith.constant 0 : i32
    %dma_wait3A_317 = tpu.memref_slice %arg2[%dma_wait3A_315, %dma_wait3A_316] : memref<1000000x128xf32, #tpu.memory_space<hbm>> -> memref<1000000x128xf32, #tpu.memory_space<hbm>>
    tpu.wait_indirect_dma semaphore(%arg11 : memref<!tpu.dma_semaphore, #tpu.memory_space<semaphore_mem>>) src(%dma_wait3A_317 : memref<1000000x128xf32, #tpu.memory_space<hbm>>) dst(%dma_wait3A_311 : memref<128x128xf32, #tpu.memory_space<vmem>>)
    %add3A_318 = arith.constant 25472 : i32
    %add3A_319 = arith.addi %mul3A_2, %add3A_318 : i32
    %dma_start3A_320 = arith.constant 4 : i32
    %dma_start3A_321 = arith.constant 0 : i32
    %dma_start3A_322 = arith.constant 0 : i32
    %dma_start3A_323 = tpu.memref_slice %arg6[%dma_start3A_320, %dma_start3A_321, %dma_start3A_322] : memref<5x128x128xf32, #tpu.memory_space<vmem>> -> memref<1x128x128xf32, #tpu.memory_space<vmem>>
    %dma_start3A_324 = tpu.memref_squeeze %dma_start3A_323 : memref<1x128x128xf32, #tpu.memory_space<vmem>> -> memref<128x128xf32, #tpu.memory_space<vmem>>
    %dma_start3A_325 = arith.constant 0 : i32
    %dma_start3A_326 = tpu.memref_slice %arg4[%add3A_319, %dma_start3A_325] : memref<819200x128xf32, #tpu.memory_space<hbm>> -> memref<128x128xf32, #tpu.memory_space<hbm>>
    %dma_start3A_327 = arith.constant 0 : i32
    %dma_start3A_328 = tpu.memref_slice %arg4[%add3A_319, %dma_start3A_327] : memref<819200x128xf32, #tpu.memory_space<hbm>> -> memref<128x128xf32, #tpu.memory_space<hbm>>
    %dma_start3A_329 = arith.constant 0 : i32
    %dma_start3A_330 = arith.constant 0 : i32
    %dma_start3A_331 = tpu.memref_slice %arg6[%dma_start3A_320, %dma_start3A_329, %dma_start3A_330] : memref<5x128x128xf32, #tpu.memory_space<vmem>> -> memref<1x128x128xf32, #tpu.memory_space<vmem>>
    %dma_start3A_332 = tpu.memref_squeeze %dma_start3A_331 : memref<1x128x128xf32, #tpu.memory_space<vmem>> -> memref<128x128xf32, #tpu.memory_space<vmem>>
    tpu.enqueue_dma source(%dma_start3A_332 : memref<128x128xf32, #tpu.memory_space<vmem>>) target(%dma_start3A_328 : memref<128x128xf32, #tpu.memory_space<hbm>>) target_semaphore(%arg16 : memref<!tpu.dma_semaphore, #tpu.memory_space<semaphore_mem>>)
    %add3A_333 = arith.constant 24960 : i32
    %add3A_334 = arith.addi %mul3A_2, %add3A_333 : i32
    %dma_wait3A_335 = arith.constant 0 : i32
    %dma_wait3A_336 = arith.constant 0 : i32
    %dma_wait3A_337 = arith.constant 0 : i32
    %dma_wait3A_338 = tpu.memref_slice %arg6[%dma_wait3A_335, %dma_wait3A_336, %dma_wait3A_337] : memref<5x128x128xf32, #tpu.memory_space<vmem>> -> memref<1x128x128xf32, #tpu.memory_space<vmem>>
    %dma_wait3A_339 = tpu.memref_squeeze %dma_wait3A_338 : memref<1x128x128xf32, #tpu.memory_space<vmem>> -> memref<128x128xf32, #tpu.memory_space<vmem>>
    %dma_wait3A_340 = arith.constant 0 : i32
    %dma_wait3A_341 = tpu.memref_slice %arg4[%add3A_334, %dma_wait3A_340] : memref<819200x128xf32, #tpu.memory_space<hbm>> -> memref<128x128xf32, #tpu.memory_space<hbm>>
    %dma_wait3A_342 = arith.constant 0 : i32
    %dma_wait3A_343 = tpu.memref_slice %arg4[%add3A_334, %dma_wait3A_342] : memref<819200x128xf32, #tpu.memory_space<hbm>> -> memref<128x128xf32, #tpu.memory_space<hbm>>
    %dma_wait3A_344 = arith.constant 0 : i32
    %dma_wait3A_345 = arith.constant 0 : i32
    %dma_wait3A_346 = tpu.memref_slice %arg6[%dma_wait3A_335, %dma_wait3A_344, %dma_wait3A_345] : memref<5x128x128xf32, #tpu.memory_space<vmem>> -> memref<1x128x128xf32, #tpu.memory_space<vmem>>
    %dma_wait3A_347 = tpu.memref_squeeze %dma_wait3A_346 : memref<1x128x128xf32, #tpu.memory_space<vmem>> -> memref<128x128xf32, #tpu.memory_space<vmem>>
    tpu.wait_dma2 semaphore(%arg12 : memref<!tpu.dma_semaphore, #tpu.memory_space<semaphore_mem>>) src(%dma_wait3A_347 : memref<128x128xf32, #tpu.memory_space<vmem>>) dst(%dma_wait3A_343 : memref<128x128xf32, #tpu.memory_space<hbm>>)
    %add3A_348 = arith.constant 25088 : i32
    %add3A_349 = arith.addi %mul3A_2, %add3A_348 : i32
    %dma_wait3A_350 = arith.constant 1 : i32
    %dma_wait3A_351 = arith.constant 0 : i32
    %dma_wait3A_352 = arith.constant 0 : i32
    %dma_wait3A_353 = tpu.memref_slice %arg6[%dma_wait3A_350, %dma_wait3A_351, %dma_wait3A_352] : memref<5x128x128xf32, #tpu.memory_space<vmem>> -> memref<1x128x128xf32, #tpu.memory_space<vmem>>
    %dma_wait3A_354 = tpu.memref_squeeze %dma_wait3A_353 : memref<1x128x128xf32, #tpu.memory_space<vmem>> -> memref<128x128xf32, #tpu.memory_space<vmem>>
    %dma_wait3A_355 = arith.constant 0 : i32
    %dma_wait3A_356 = tpu.memref_slice %arg4[%add3A_349, %dma_wait3A_355] : memref<819200x128xf32, #tpu.memory_space<hbm>> -> memref<128x128xf32, #tpu.memory_space<hbm>>
    %dma_wait3A_357 = arith.constant 0 : i32
    %dma_wait3A_358 = tpu.memref_slice %arg4[%add3A_349, %dma_wait3A_357] : memref<819200x128xf32, #tpu.memory_space<hbm>> -> memref<128x128xf32, #tpu.memory_space<hbm>>
    %dma_wait3A_359 = arith.constant 0 : i32
    %dma_wait3A_360 = arith.constant 0 : i32
    %dma_wait3A_361 = tpu.memref_slice %arg6[%dma_wait3A_350, %dma_wait3A_359, %dma_wait3A_360] : memref<5x128x128xf32, #tpu.memory_space<vmem>> -> memref<1x128x128xf32, #tpu.memory_space<vmem>>
    %dma_wait3A_362 = tpu.memref_squeeze %dma_wait3A_361 : memref<1x128x128xf32, #tpu.memory_space<vmem>> -> memref<128x128xf32, #tpu.memory_space<vmem>>
    tpu.wait_dma2 semaphore(%arg13 : memref<!tpu.dma_semaphore, #tpu.memory_space<semaphore_mem>>) src(%dma_wait3A_362 : memref<128x128xf32, #tpu.memory_space<vmem>>) dst(%dma_wait3A_358 : memref<128x128xf32, #tpu.memory_space<hbm>>)
    %add3A_363 = arith.constant 25216 : i32
    %add3A_364 = arith.addi %mul3A_2, %add3A_363 : i32
    %dma_wait3A_365 = arith.constant 2 : i32
    %dma_wait3A_366 = arith.constant 0 : i32
    %dma_wait3A_367 = arith.constant 0 : i32
    %dma_wait3A_368 = tpu.memref_slice %arg6[%dma_wait3A_365, %dma_wait3A_366, %dma_wait3A_367] : memref<5x128x128xf32, #tpu.memory_space<vmem>> -> memref<1x128x128xf32, #tpu.memory_space<vmem>>
    %dma_wait3A_369 = tpu.memref_squeeze %dma_wait3A_368 : memref<1x128x128xf32, #tpu.memory_space<vmem>> -> memref<128x128xf32, #tpu.memory_space<vmem>>
    %dma_wait3A_370 = arith.constant 0 : i32
    %dma_wait3A_371 = tpu.memref_slice %arg4[%add3A_364, %dma_wait3A_370] : memref<819200x128xf32, #tpu.memory_space<hbm>> -> memref<128x128xf32, #tpu.memory_space<hbm>>
    %dma_wait3A_372 = arith.constant 0 : i32
    %dma_wait3A_373 = tpu.memref_slice %arg4[%add3A_364, %dma_wait3A_372] : memref<819200x128xf32, #tpu.memory_space<hbm>> -> memref<128x128xf32, #tpu.memory_space<hbm>>
    %dma_wait3A_374 = arith.constant 0 : i32
    %dma_wait3A_375 = arith.constant 0 : i32
    %dma_wait3A_376 = tpu.memref_slice %arg6[%dma_wait3A_365, %dma_wait3A_374, %dma_wait3A_375] : memref<5x128x128xf32, #tpu.memory_space<vmem>> -> memref<1x128x128xf32, #tpu.memory_space<vmem>>
    %dma_wait3A_377 = tpu.memref_squeeze %dma_wait3A_376 : memref<1x128x128xf32, #tpu.memory_space<vmem>> -> memref<128x128xf32, #tpu.memory_space<vmem>>
    tpu.wait_dma2 semaphore(%arg14 : memref<!tpu.dma_semaphore, #tpu.memory_space<semaphore_mem>>) src(%dma_wait3A_377 : memref<128x128xf32, #tpu.memory_space<vmem>>) dst(%dma_wait3A_373 : memref<128x128xf32, #tpu.memory_space<hbm>>)
    %add3A_378 = arith.constant 25344 : i32
    %add3A_379 = arith.addi %mul3A_2, %add3A_378 : i32
    %dma_wait3A_380 = arith.constant 3 : i32
    %dma_wait3A_381 = arith.constant 0 : i32
    %dma_wait3A_382 = arith.constant 0 : i32
    %dma_wait3A_383 = tpu.memref_slice %arg6[%dma_wait3A_380, %dma_wait3A_381, %dma_wait3A_382] : memref<5x128x128xf32, #tpu.memory_space<vmem>> -> memref<1x128x128xf32, #tpu.memory_space<vmem>>
    %dma_wait3A_384 = tpu.memref_squeeze %dma_wait3A_383 : memref<1x128x128xf32, #tpu.memory_space<vmem>> -> memref<128x128xf32, #tpu.memory_space<vmem>>
    %dma_wait3A_385 = arith.constant 0 : i32
    %dma_wait3A_386 = tpu.memref_slice %arg4[%add3A_379, %dma_wait3A_385] : memref<819200x128xf32, #tpu.memory_space<hbm>> -> memref<128x128xf32, #tpu.memory_space<hbm>>
    %dma_wait3A_387 = arith.constant 0 : i32
    %dma_wait3A_388 = tpu.memref_slice %arg4[%add3A_379, %dma_wait3A_387] : memref<819200x128xf32, #tpu.memory_space<hbm>> -> memref<128x128xf32, #tpu.memory_space<hbm>>
    %dma_wait3A_389 = arith.constant 0 : i32
    %dma_wait3A_390 = arith.constant 0 : i32
    %dma_wait3A_391 = tpu.memref_slice %arg6[%dma_wait3A_380, %dma_wait3A_389, %dma_wait3A_390] : memref<5x128x128xf32, #tpu.memory_space<vmem>> -> memref<1x128x128xf32, #tpu.memory_space<vmem>>
    %dma_wait3A_392 = tpu.memref_squeeze %dma_wait3A_391 : memref<1x128x128xf32, #tpu.memory_space<vmem>> -> memref<128x128xf32, #tpu.memory_space<vmem>>
    tpu.wait_dma2 semaphore(%arg15 : memref<!tpu.dma_semaphore, #tpu.memory_space<semaphore_mem>>) src(%dma_wait3A_392 : memref<128x128xf32, #tpu.memory_space<vmem>>) dst(%dma_wait3A_388 : memref<128x128xf32, #tpu.memory_space<hbm>>)
    %add3A_393 = arith.constant 25472 : i32
    %add3A_394 = arith.addi %mul3A_2, %add3A_393 : i32
    %dma_wait3A_395 = arith.constant 4 : i32
    %dma_wait3A_396 = arith.constant 0 : i32
    %dma_wait3A_397 = arith.constant 0 : i32
    %dma_wait3A_398 = tpu.memref_slice %arg6[%dma_wait3A_395, %dma_wait3A_396, %dma_wait3A_397] : memref<5x128x128xf32, #tpu.memory_space<vmem>> -> memref<1x128x128xf32, #tpu.memory_space<vmem>>
    %dma_wait3A_399 = tpu.memref_squeeze %dma_wait3A_398 : memref<1x128x128xf32, #tpu.memory_space<vmem>> -> memref<128x128xf32, #tpu.memory_space<vmem>>
    %dma_wait3A_400 = arith.constant 0 : i32
    %dma_wait3A_401 = tpu.memref_slice %arg4[%add3A_394, %dma_wait3A_400] : memref<819200x128xf32, #tpu.memory_space<hbm>> -> memref<128x128xf32, #tpu.memory_space<hbm>>
    %dma_wait3A_402 = arith.constant 0 : i32
    %dma_wait3A_403 = tpu.memref_slice %arg4[%add3A_394, %dma_wait3A_402] : memref<819200x128xf32, #tpu.memory_space<hbm>> -> memref<128x128xf32, #tpu.memory_space<hbm>>
    %dma_wait3A_404 = arith.constant 0 : i32
    %dma_wait3A_405 = arith.constant 0 : i32
    %dma_wait3A_406 = tpu.memref_slice %arg6[%dma_wait3A_395, %dma_wait3A_404, %dma_wait3A_405] : memref<5x128x128xf32, #tpu.memory_space<vmem>> -> memref<1x128x128xf32, #tpu.memory_space<vmem>>
    %dma_wait3A_407 = tpu.memref_squeeze %dma_wait3A_406 : memref<1x128x128xf32, #tpu.memory_space<vmem>> -> memref<128x128xf32, #tpu.memory_space<vmem>>
    tpu.wait_dma2 semaphore(%arg16 : memref<!tpu.dma_semaphore, #tpu.memory_space<semaphore_mem>>) src(%dma_wait3A_407 : memref<128x128xf32, #tpu.memory_space<vmem>>) dst(%dma_wait3A_403 : memref<128x128xf32, #tpu.memory_space<hbm>>)
    return
  }
}

</mosaic_0001>

<sc_bundles>
// kernel: kernel.3.cloned.1.call-start
scs
__scs_entry_jumppad:
0x0: {  	(pc) =	sbr.rel $0x88, $3  }
0x1: {  	(tag) =	ssettag $0x0;
	lr =	simm.s32 $0x1  }
0x2: {  	[smem:$0x3F9F] =	sst lr;
	_ =	strace $0xD0000000  }
0x3: {  	_ = 	snop  }
0x4: {  	_ = 	snop  }
0x5: {  	_ = 	snop  }
0x6: {  	_ = 	snop  }
0x7: {  	_ = 	snop  }
__scs_overlays_trampoline_lowered:
0x8: {  	[smem:$0x3FAE] =	sst s0  }
0x9: {  	[smem:$0x3FAF] =	sst s1  }
0xa: {  	[smem:$0x3FB0] =	sst s2  }
0xb: {  	[smem:$0x3FB1] =	sst s3  }
0xc: {  	[smem:$0x3FB2] =	sst s4  }
0xd: {  	[smem:$0x3FB3] =	sst s5  }
0xe: {  	[smem:$0x3FB4] =	sst s6  }
0xf: {  	[smem:$0x3FB5] =	sst s7  }
0x10: {  	[smem:$0x3FB6] =	sst s8  }
0x11: {  	[smem:$0x3FB7] =	sst s9;
	s0 =	simm.s32 @!p0 $0x0  }
0x12: {  	s1 =	sld [smem:$0x3F9D];
	s0 =	simm.s32 @p0 $0x1  }
0x13: {  	[smem:$0x3FB8] =	sst s0;
	s0 =	simm.s32 @!p1 $0x0  }
0x14: {  	s2 =	sld [smem:$0x3F9C];
	s0 =	simm.s32 @p1 $0x1  }
0x15: {  	[smem:$0x3FB9] =	sst s0;
	s0 =	simm.s32 @!p2 $0x0  }
0x16: {  	s3 =	sld [smem:$0x3FDB];
	s0 =	simm.s32 @p2 $0x1  }
0x17: {  	s4 =	simm.s32 $0x1BF5;
	[smem:$0x3FBB] =	sst s0  }
0x18: {  	s0 =	sld [smem:$0x3F9E];
	_ =	swait.ge [sflag:s4], $0x0  }
0x19: {  	s7 =	sld [smem:$0x3F9F]  }
0x1a: {  	s8 =	sadd.s32 $0xFFFFE003, lr  }
0x1b: {  	s9 =	sadd.s32 $0xFFFFFEF7, lr;
	s5 =	simm.s32 $0xFFFFFFFF;
	p2 =	slt.u32 s8, $0xFFFFF086  }
0x1c: {  	p1 =	slt.u32 s9, $0xF7A;
	s5 =	simm.s32 @!p2 $0x0  }
0x1d: {  	s5 =	simm.s32 @p1 $0x1;
	p0 =	seq.s32 s7, s2  }
0x1e: {  	s7 =	smul.u32 @!p0 $0xF7A, s2;
	p2 =	seq.s32 @!p0 s5, $0x0  }
0x1f: {  	s9 =	smul.u32 $0xF7A, s1;
	s8 =	simm.s32 @!p0 $0x1BF5;
	p2 =	por !p2, p0  }
0x20: {  	[sflag:s8] =	ssyncset.s32 @!p0 $0xFFFFF086;
	s6 =	sadd.s32 @!p0 s3, s7;
	s7 =	simm.s32 @!p0 $0x108  }
0x21: {  	s3 =	sadd.s32 s3, s9;
	s6 =	sadd.s32 @!p0 $0x88, s6;
	s7 =	simm.s32 @p2 $0x1082  }
0x22: {  	[simem:s7], [sflag:s8] =	dma.local @!p0 [hbm:s6], $0xF7A  }
0x23: {  	s9 =	sor.u32 $0xD0000000, s2;
	s6 =	simm.s32 $0x108;
	_ =	swait.ge @!p0 [sflag:s8], $0x0  }
0x24: {  	s3 =	sadd.s32 $0x88, s3;
	s6 =	simm.s32 @!p1 $0x1082;
	[sflag:s4] =	ssyncset.s32 $0xFFFFF086  }
0x25: {  	[simem:s6], [sflag:s4] =	dma.local [hbm:s3], $0xF7A  }
0x26: {  	[smem:$0x3F9F] =	sst s1;
	(tag) =	ssettag s2;
	_ =	strace s9  }
0x27: {  	s1 =	sld [smem:$0x3FAF]  }
0x28: {  	s2 =	sld [smem:$0x3FB0]  }
0x29: {  	s4 =	sld [smem:$0x3FB2]  }
0x2a: {  	p0 =	seq.s32 s5, $0x0;
	s5 =	sld [smem:$0x3FB3]  }
0x2b: {  	s6 =	sld [smem:$0x3FB4]  }
0x2c: {  	s7 =	sld [smem:$0x3FB5]  }
0x2d: {  	s3 =	simm.s32 $0x108;
	s8 =	sld [smem:$0x3FB6]  }
0x2e: {  	s3 =	simm.s32 @!p0 $0x1082;
	s9 =	sld [smem:$0x3FB7]  }
0x2f: {  	lr =	sadd.s32 s0, s3;
	s0 =	sld [smem:$0x3FAE]  }
0x30: {  	s3 =	sld [smem:$0x3FB1]  }
0x31: {  	[smem:$0x3FBA] =	sst s10  }
0x32: {  	s10 =	sld [smem:$0x3FB8];
	_ =	sdelay $0x3  }
0x33: {  	p0 =	seq.s32 s10, $0x1;
	s10 =	sld [smem:$0x3FBA];
	_ =	sdelay $0x3  }
0x34: {  	[smem:$0x3FBA] =	sst s10  }
0x35: {  	s10 =	sld [smem:$0x3FB9];
	_ =	sdelay $0x3  }
0x36: {  	p1 =	seq.s32 s10, $0x1;
	s10 =	sld [smem:$0x3FBA];
	_ =	sdelay $0x3  }
0x37: {  	[smem:$0x3FBA] =	sst s10  }
0x38: {  	s10 =	sld [smem:$0x3FBB]  }
0x39: {  	_ = 	snop;
	(pc) =	sbr.ind lr, $3  }
0x3a: {  	_ = 	snop  }
0x3b: {  	_ = 	snop  }
0x3c: {  	p2 =	seq.s32 s10, $0x1;
	s10 =	sld [smem:$0x3FBA]  }
0x3d: {  	_ =	shalt  }
0x3e: {  	_ =	shalt  }
0x3f: {  	_ =	shalt  }
0x40: {  	_ =	shalt  }
0x41: {  	_ =	shalt  }
0x42: {  	_ =	shalt  }
0x43: {  	_ =	shalt  }
0x44: {  	_ =	shalt  }
0x45: {  	_ =	shalt  }
0x46: {  	_ =	shalt  }
0x47: {  	_ =	shalt  }
0x48: {  	_ =	shalt  }
0x49: {  	_ =	shalt  }
0x4a: {  	_ =	shalt  }
0x4b: {  	_ =	shalt  }
0x4c: {  	_ =	shalt  }
0x4d: {  	_ =	shalt  }
0x4e: {  	_ =	shalt  }
0x4f: {  	_ =	shalt  }
0x50: {  	_ =	shalt  }
0x51: {  	_ =	shalt  }
0x52: {  	_ =	shalt  }
0x53: {  	_ =	shalt  }
0x54: {  	_ =	shalt  }
0x55: {  	_ =	shalt  }
0x56: {  	_ =	shalt  }
0x57: {  	_ =	shalt  }
0x58: {  	_ =	shalt  }
0x59: {  	_ =	shalt  }
0x5a: {  	_ =	shalt  }
0x5b: {  	_ =	shalt  }
0x5c: {  	_ =	shalt  }
0x5d: {  	_ =	shalt  }
0x5e: {  	_ =	shalt  }
0x5f: {  	_ =	shalt  }
0x60: {  	_ =	shalt  }
0x61: {  	_ =	shalt  }
0x62: {  	_ =	shalt  }
0x63: {  	_ =	shalt  }
0x64: {  	_ =	shalt  }
0x65: {  	_ =	shalt  }
0x66: {  	_ =	shalt  }
0x67: {  	_ =	shalt  }
0x68: {  	_ =	shalt  }
0x69: {  	_ =	shalt  }
0x6a: {  	_ =	shalt  }
0x6b: {  	_ =	shalt  }
0x6c: {  	_ =	shalt  }
0x6d: {  	_ =	shalt  }
0x6e: {  	_ =	shalt  }
0x6f: {  	_ =	shalt  }
0x70: {  	_ =	shalt  }
0x71: {  	_ =	shalt  }
0x72: {  	_ =	shalt  }
0x73: {  	_ =	shalt  }
0x74: {  	_ =	shalt  }
0x75: {  	_ =	shalt  }
0x76: {  	_ =	shalt  }
0x77: {  	_ =	shalt  }
0x78: {  	_ =	shalt  }
0x79: {  	_ =	shalt  }
0x7a: {  	_ =	shalt  }
0x7b: {  	_ =	shalt  }
0x7c: {  	_ =	shalt  }
0x7d: {  	_ =	shalt  }
0x7e: {  	_ =	shalt  }
0x7f: {  	_ =	shalt  }
0x80: {  	_ =	shalt  }
0x81: {  	_ =	shalt  }
0x82: {  	_ =	shalt  }
0x83: {  	_ =	shalt  }
0x84: {  	_ =	shalt  }
0x85: {  	_ =	shalt  }
0x86: {  	_ =	shalt  }
0x87: {  	_ =	shalt  }
.Lfunc_end0:
.L_simem_size_0:
called_computation_lowered:
.L_overlay_start_0:
0x88: {  	s2 =	sld [smem:$0x3FD9]  }
0x89: {  	s3 =	sld [smem:$0x3FFE];
	_ =	sdelay $0x1  }
0x8a: {  	s1 =	srdreg.scid  }
0x8b: {  	s0 =	sand.u32 $0x1, s1  }
0x8c: {  	s17 =	sshll.u32 s0, $0xA;
	s2 =	sadd.s32 s3, s2  }
0x8d: {  	s2 =	sadd.s32 s2, s17  }
0x8e: {  	[smem:$0x3FC6] =	sst s2  }
0x8f: {  	_ = 	snop  }
0x90: {  	s2 =	sld [smem:$0x3FC8]  }
0x91: {  	s18 =	sld [smem:$0x3FD0];
	(tm) =	ssettm $0x1  }
0x92: {  	s4 =	sld [smem:$0x3FFB];
	_ =	sdelay $0x3  }
0x93: {  	_ =	strace s4  }
0x94: {  	s4 =	sld [smem:$0x3FFC];
	_ =	sdelay $0x3  }
0x95: {  	_ =	strace s4  }
0x96: {  	s4 =	sld [smem:$0x3FFD];
	_ =	sdelay $0x3  }
0x97: {  	_ =	strace s4  }
0x98: {  	_ =	strace $0x8FFFFFFF  }
0x99: {  	s19 =	sld [smem:$0x3FDB];
	_ =	sdelay $0x1  }
0x9a: {  	s5 =	simm.s32 $_scs_section_size  }
0x9b: {  	s6 =	simm.s32 $_size__tile_overlayer_lowered;
	s7 =	simm.s32 $_tile_overlayer_lowered  }
0x9c: {  	s22 =	simm.s32 $0x1BFF;
	s21 =	sshll.u32 s7, $0x1;
	s4 =	sadd.s32 s5, s19  }
0x9d: {  	s8 =	simm.s32 $0x0;
	s20 =	sshll.u32 s6, $0x1;
	s6 =	sadd.s32 s21, s4  }
0x9e: {  	[timem:s8], [sflag:s22] =	dma.local [hbm:s6], s20  }
0x9f: {  	_ =	swait.ge [sflag:s22], s20  }
0xa0: {  	s5 =	ssub.s32 $0x0, s20;
	[sflag:s22] =	ssyncset.done $0x0  }
0xa1: {  	[sflag:s22] =	ssyncadd.s32 s5;
	_ =	sdelay $0x1  }
0xa2: {  	s23 =	simm.s32 $0x1B8B  }
0xa3: {  	_ =	swait.ge [sflag:s23], $0x1  }
0xa4: {  	[sflag:s23] =	ssyncset.done $0x0  }
0xa5: {  	s25 =	simm.s32 $0x1B8E;
	s24 =	sld [smem:$0x3FFE];
	[sflag:s23] =	ssyncadd.s32 $0xFFFFFFFF  }
0xa6: {  	s26 =	simm.s32 $execute0_lowered;
	[smem:$0x3FD2] =	sst s25  }
0xa7: {  	s6 =	sshll.u32 s26, $0x1;
	_ =	strace $0x80000046;
	[dreg:$0x1] =	wrdreg $0xFFFFFFFF  }
0xa8: {  	s28 =	simm.s32 $_size_execute0_lowered;
	s4 =	sadd.s32 s4, s6;
	[dreg:$0x0] =	wrdreg $0x0  }
0xa9: {  	s6 =	sshll.u32 s28, $0x1;
	[dreg:$0x2] =	wrdreg s4  }
0xaa: {  	[dreg:$0x3] =	wrdreg s6  }
0xab: {  	[dreg:$0x4] =	wrdreg $0xC0  }
0xac: {  	_ =	task [dreg:s8], $0x5FFFF  }
0xad: {  	[dreg:$0x1] =	wrdreg $0xFFFFFFFF  }
0xae: {  	[dreg:$0x0] =	wrdreg $0x60  }
0xaf: {  	[dreg:$0x2] =	wrdreg s2  }
0xb0: {  	[dreg:$0x3] =	wrdreg s24  }
0xb1: {  	[dreg:$0x4] =	wrdreg s18  }
0xb2: {  	[dreg:$0x5] =	wrdreg $0x9  }
0xb3: {  	_ =	task.clear_ibuf [dreg:s8], $0x6FFFF;
	_ =	strace $0x90000046  }
0xb4: {  	s29 =	simm.s32 $0x9;
	_ =	strace $0x80000048  }
0xb5: {  	_ =	swait.ge [sflag:s29], $0x1  }
0xb6: {  	[sflag:s29] =	ssyncadd.s32 $0xFFFFFFFF  }
0xb7: {  	_ =	strace $0x90000048  }
0xb8: {  	_ =	sfence  }
0xb9: {  	s30 =	sld [smem:$0x0];
	_ =	sdelay $0x2  }
0xba: {  	s31 =	sshll.u32 s1, $0xD;
	s1 =	sshrl.u32 s1, $0x2  }
0xbb: {  	s3 =	sand.u32 $0x4000, s31;
	s1 =	sadd.s32 s1, s30  }
0xbc: {  	s0 =	sor.u32 s3, s0;
	s1 =	sshll.u32 s1, $0x11  }
0xbd: {  	s0 =	sor.u32 s1, s0  }
0xbe: {  	s0 =	sadd.s32 $0x8F2B, s0  }
0xbf: {  	[sflag:s0] =	ssyncadd.remote.s32 $0x1  }
0xc0: {  	_ =	sfence.sel $0xFFFF  }
0xc1: {  	[dreg:$0x0] =	wrdreg $0xFFFFFFFF;
	(pc) =	sbr.abs _section_cstart, $3  }
0xc2: {  	[dreg:$0x1] =	wrdreg $0xFFFFFFFF  }
0xc3: {  	_ =	task.clear_ibuf [dreg:s8], $0x2FFFF;
	_ =	strace $0x9FFFFFFF  }
0xc4: {  	(tm) =	ssettm $0x7FFFFFFF  }
0xc5: {  	_ =	shalt  }
tec
execute0_lowered:
.L_overlay_start_1:
0x0: {  	(tag) =	ssettag $0x1  }
0x1: {  	s2 =	rddreg [dreg:$0x0]  }
0x2: {  	s0 =	rddreg [dreg:$0x1]  }
0x3: {  	s1 =	rddreg [dreg:$0x2]  }
0x4: {  	s3 =	srdreg.scid;
	s11 =	stileid.u32  }
0x5: {  	s28 =	simm.s32 $0xC;
	s4 =	sand.u32 $0x1, s3;
	s5 =	sshll.u32 s11, $0x1  }
0x6: {  	s29 =	simm.s32 $0x4400;
	s30 =	simm.s32 $0x180;
	s5 =	sor.u32 s4, s5  }
0x7: {  	s31 =	simm.s32 $0xD;
	s3 =	simm.s32 $0x0;
	s8 =	smul.u32 $0x6400, s5  }
0x8: {  	s6 =	ssub.s32 $0x2, s4;
	[smem:$0x7FF] =	sst s3;
	s9 =	smul.u32 $0x64000, s5  }
0x9: {  	s0 =	sadd.s32 $0x400, s0;
	s7 =	sshrl.u32 s6, $0x1;
	_ =	strace $0x80000047  }
0xa: {  	s6 =	ssub.s32 s6, s7;
	s20 =	sshrl.u32 s8, $0x3;
	s9 =	sadd.s32 s1, s9  }
0xb: {  	s8 =	sor.u32 $0x80, s8;
	s17 =	smax.u32 s6, $0x1;
	[dreg:$0x9] =	wrdreg s9  }
0xc: {  	s12 =	sadd.s32 s0, s20;
	s21 =	sshrl.u32 s8, $0x3;
	[dreg:$0x10] =	wrdreg s17  }
0xd: {  	s23 =	smul.u32 $0xC800, s11;
	s7 =	sadd.s32 s0, s21;
	[dreg:$0x4] =	wrdreg s12  }
0xe: {  	s25 =	smul.u32 $0x6400, s4;
	s22 =	sadd.s32 $0x20, s12;
	[dreg:$0x5] =	wrdreg s7  }
0xf: {  	s4 =	smul.u32 $0x64000, s4;
	s10 =	sadd.s32 $0x30, s12;
	[dreg:$0x6] =	wrdreg s22  }
0x10: {  	s5 =	smul.u32 $0x320000, s5;
	s24 =	sadd.s32 $0x40, s12;
	[dreg:$0x7] =	wrdreg s10  }
0x11: {  	s8 =	sshll.u32 s8, $0x4;
	s26 =	sadd.s32 $0x50, s12;
	[dreg:$0x8] =	wrdreg s24  }
0x12: {  	s5 =	sshrl.u32 s5, $0x3;
	s8 =	sadd.s32 s1, s8;
	[dreg:$0xa] =	wrdreg s26  }
0x13: {  	s5 =	sadd.s32 s1, s5;
	s13 =	sadd.s32 $0x60, s12;
	[dreg:$0xb] =	wrdreg s8  }
0x14: {  	s9 =	simm.s32 $0x10400;
	s15 =	sadd.s32 $0x62800, s5;
	[dreg:$0xc] =	wrdreg s13  }
0x15: {  	s16 =	sadd.s32 $0x63000, s5;
	s5 =	sadd.s32 $0x63800, s5;
	[dreg:$0xd] =	wrdreg s15  }
0x16: {  	s21 =	smul.u32 $0xC8000, s11;
	s11 =	simm.s32 $0x6;
	[dreg:$0xe] =	wrdreg s16  }
0x17: {  	s12 =	simm.s32 $0x3;
	s7 =	sadd.s32 s25, s23;
	[dreg:$0xf] =	wrdreg s5  }
0x18: {  	s10 =	simm.s32 $0x2;
	s13 =	simm.s32 $0x7;
	s15 =	simm.s32 $0x8  }
0x19: {  	s16 =	simm.s32 $0x5;
	s14 =	sadd.s32 $0x580, s7;
	s19 =	sadd.s32 $0x500, s7  }
0x1a: {  	s20 =	sadd.s32 $0x480, s7;
	s1 =	sadd.s32 s21, s1;
	s23 =	sadd.s32 $0x400, s7  }
0x1b: {  	s24 =	sor.u32 $0x380, s7;
	s7 =	simm.s32 $0x1;
	s8 =	sshrl.u32 s14, $0x3  }
0x1c: {  	s5 =	sshrl.u32 s19, $0x3;
	s6 =	sshrl.u32 s20, $0x3;
	s1 =	sadd.s32 s4, s1  }
0x1d: {  	s25 =	sshrl.u32 s23, $0x3;
	s26 =	sshrl.u32 s24, $0x3;
	s23 =	simm.s32 $0x80  }
0x1e: {  	s24 =	simm.s32 $0xB;
	s14 =	simm.s32 $0x4;
	s18 =	sadd.s32 s8, s0  }
0x1f: {  	s4 =	simm.s32 $0x9;
	s5 =	sadd.s32 s5, s0;
	[dreg:$0x11] =	wrdreg s18  }
0x20: {  	s20 =	simm.s32 $0xA;
	s22 =	sadd.s32 s6, s0;
	[dreg:$0x12] =	wrdreg s5  }
.Ltmp0:
0x21: {  	s1 =	sadd.s32 $0x1800, s1;
	[dreg:$0x13] =	wrdreg s22;
	(pc) =	sbr.rel .LBB2_1-.Ltmp0, $4  }
0x22: {  	s6 =	simm.s32 $0xC400;
	s8 =	simm.s32 $0xF;
	[dreg:$0x14] =	wrdreg s1  }
0x23: {  	s1 =	sadd.s32 s25, s0;
	s22 =	sadd.s32 s26, s0;
	s25 =	simm.s32 $0x400  }
0x24: {  	s26 =	simm.s32 $0x100;
	s0 =	simm.s32 $0x8400;
	s5 =	simm.s32 $0xE  }
0x25: {  	s18 =	simm.s32 $0x0;
	[dreg:$0x15] =	wrdreg s1;
	s1 =	simm.s32 $0x200  }
.LBB2_4:
0x26: {  	_ =	swait.ge [sflag:s12], $0x4000  }
0x27: {  	[sflag:s12] =	ssyncset.done $0x0  }
0x28: {  	s17 =	rddreg [dreg:$0xd];
	[sflag:s12] =	ssyncadd.s32 $0xFFFFC000  }
0x29: {  	[hbm4b:s17+s3] =	stream.linear.scatter [tilespmem:s0], [sflag:$0x8], $0x4000, $0x38;
	[tilespmem:$0x14400] =	vst v63  }
0x2a: {  	_ =	swait.ge [sflag:s14], $0x4000  }
0x2b: {  	[sflag:s14] =	ssyncset.done $0x0  }
0x2c: {  	s18 =	rddreg [dreg:$0xe];
	[sflag:s14] =	ssyncadd.s32 $0xFFFFC000  }
0x2d: {  	[hbm4b:s18+s3] =	stream.linear.scatter [tilespmem:s6], [sflag:$0x9], $0x4000, $0x38;
	[tilespmem:$0x14400] =	vst v63  }
0x2e: {  	_ =	swait.ge [sflag:s16], $0x4000  }
0x2f: {  	[sflag:s16] =	ssyncset.done $0x0  }
0x30: {  	s19 =	rddreg [dreg:$0xf];
	[sflag:s16] =	ssyncadd.s32 $0xFFFFC000  }
0x31: {  	[hbm4b:s19+s3] =	stream.linear.scatter [tilespmem:s9], [sflag:$0xA], $0x4000, $0x38;
	[tilespmem:$0x14400] =	vst v63  }
0x32: {  	_ =	swait.ge [sflag:s11], $0x4000  }
0x33: {  	[sflag:s11] =	ssyncset.done $0x0  }
0x34: {  	[sflag:s11] =	ssyncadd.s32 $0xFFFFC000  }
0x35: {  	_ =	swait.ge [sflag:s13], $0x4000  }
0x36: {  	[sflag:s13] =	ssyncset.done $0x0  }
0x37: {  	[sflag:s13] =	ssyncadd.s32 $0xFFFFC000  }
0x38: {  	_ =	swait.ge [sflag:s15], $0x4000  }
0x39: {  	[sflag:s15] =	ssyncset.done $0x0  }
0x3a: {  	[sflag:s15] =	ssyncadd.s32 $0xFFFFC000  }
0x3b: {  	_ =	swait.ge [sflag:s4], $0x4000  }
0x3c: {  	[sflag:s4] =	ssyncset.done $0x0  }
0x3d: {  	[sflag:s4] =	ssyncadd.s32 $0xFFFFC000  }
0x3e: {  	_ =	swait.ge [sflag:s20], $0x4000  }
0x3f: {  	s18 =	rddreg [dreg:$0x16]  }
0x40: {  	s21 =	rddreg [dreg:$0x10];
	s18 =	sadd.s32 $0x1, s18  }
0x41: {  	p0 =	sne.s32 s18, s21  }
.Ltmp1:
0x42: {  	_ = 	snop;
	(pc) =	sbr.rel @!p0 .LBB2_5-.Ltmp1, $3  }
0x43: {  	_ =	sdelay $0x1  }
0x44: {  	[sflag:s20] =	ssyncset.done $0x0  }
0x45: {  	[sflag:s20] =	ssyncadd.s32 $0xFFFFC000  }
.LBB2_1:
0x46: {  	[dreg:$0x16] =	wrdreg s18  }
0x47: {  	s17 =	rddreg [dreg:$0x4]  }
0x48: {  	[tilespmem:s3], [sflag:$0xB] =	stream.linear.gather [hbm4b:s17+s3], $0x80, $0x38;
	[tilespmem:$0x14400] =	vst v63  }
0x49: {  	s19 =	rddreg [dreg:$0x5]  }
0x4a: {  	[tilespmem:s23], [sflag:$0xC] =	stream.linear.gather [hbm4b:s19+s3], $0x80, $0x38;
	[tilespmem:$0x14400] =	vst v63  }
0x4b: {  	_ =	swait.ge [sflag:s24], $0x80  }
0x4c: {  	[sflag:s24] =	ssyncset.done $0x0  }
0x4d: {  	[sflag:s24] =	ssyncadd.s32 $0xFFFFFF80  }
0x4e: {  	[tilespmem:s25], [sflag:$0x1] =	stream.indirect.gather [hbm4b:s2+s23], $0x80, s3, s23, $0xb8;
	[tilespmem:$0x14400] =	vst v63  }
0x4f: {  	s21 =	rddreg [dreg:$0x6]  }
0x50: {  	[tilespmem:s26], [sflag:$0xD] =	stream.linear.gather [hbm4b:s21+s3], $0x80, $0x38;
	[tilespmem:$0x14400] =	vst v63  }
0x51: {  	_ =	swait.ge [sflag:s28], $0x80  }
0x52: {  	[sflag:s28] =	ssyncset.done $0x0  }
0x53: {  	[sflag:s28] =	ssyncadd.s32 $0xFFFFFF80  }
0x54: {  	[tilespmem:s29], [sflag:$0x2] =	stream.indirect.gather [hbm4b:s2+s23], $0x80, s23, s23, $0xb8;
	[tilespmem:$0x14400] =	vst v63  }
0x55: {  	s18 =	rddreg [dreg:$0x7]  }
0x56: {  	[tilespmem:s30], [sflag:$0xE] =	stream.linear.gather [hbm4b:s18+s3], $0x80, $0x38;
	[tilespmem:$0x14400] =	vst v63  }
0x57: {  	_ =	swait.ge [sflag:s31], $0x80  }
0x58: {  	[sflag:s31] =	ssyncset.done $0x0  }
0x59: {  	[sflag:s31] =	ssyncadd.s32 $0xFFFFFF80  }
0x5a: {  	[tilespmem:s0], [sflag:$0x3] =	stream.indirect.gather [hbm4b:s2+s23], $0x80, s26, s23, $0xb8;
	[tilespmem:$0x14400] =	vst v63  }
0x5b: {  	s19 =	rddreg [dreg:$0x8]  }
0x5c: {  	[tilespmem:s1], [sflag:$0xF] =	stream.linear.gather [hbm4b:s19+s3], $0x80, $0x38;
	[tilespmem:$0x14400] =	vst v63  }
0x5d: {  	_ =	swait.ge [sflag:s5], $0x80  }
0x5e: {  	[sflag:s5] =	ssyncset.done $0x0  }
0x5f: {  	[sflag:s5] =	ssyncadd.s32 $0xFFFFFF80  }
0x60: {  	[tilespmem:s6], [sflag:$0x4] =	stream.indirect.gather [hbm4b:s2+s23], $0x80, s30, s23, $0xb8;
	[tilespmem:$0x14400] =	vst v63  }
0x61: {  	_ =	swait.ge [sflag:s7], $0x4000  }
0x62: {  	[sflag:s7] =	ssyncset.done $0x0  }
0x63: {  	s21 =	rddreg [dreg:$0x9];
	[sflag:s7] =	ssyncadd.s32 $0xFFFFC000  }
0x64: {  	[hbm4b:s21+s3] =	stream.linear.scatter [tilespmem:s25], [sflag:$0x6], $0x4000, $0x38;
	[tilespmem:$0x14400] =	vst v63  }
0x65: {  	s18 =	rddreg [dreg:$0xa]  }
0x66: {  	[tilespmem:s3], [sflag:$0xB] =	stream.linear.gather [hbm4b:s18+s3], $0x80, $0x38;
	[tilespmem:$0x14400] =	vst v63  }
0x67: {  	_ =	swait.ge [sflag:s8], $0x80  }
0x68: {  	[sflag:s8] =	ssyncset.done $0x0  }
0x69: {  	[sflag:s8] =	ssyncadd.s32 $0xFFFFFF80  }
0x6a: {  	[tilespmem:s9], [sflag:$0x5] =	stream.indirect.gather [hbm4b:s2+s23], $0x80, s1, s23, $0xb8;
	[tilespmem:$0x14400] =	vst v63  }
0x6b: {  	_ =	swait.ge [sflag:s10], $0x4000  }
0x6c: {  	[sflag:s10] =	ssyncset.done $0x0;
	s19 =	rddreg [dreg:$0xb]  }
0x6d: {  	s21 =	rddreg [dreg:$0xc];
	[sflag:s10] =	ssyncadd.s32 $0xFFFFC000  }
0x6e: {  	[hbm4b:s19+s3] =	stream.linear.scatter [tilespmem:s29], [sflag:$0x7], $0x4000, $0x38;
	[tilespmem:$0x14400] =	vst v63  }
0x6f: {  	s18 =	simm.s32 $0x0;
	s17 =	rddreg [dreg:$0x14]  }
0x70: {  	[tilespmem:s23], [sflag:$0xC] =	stream.linear.gather [hbm4b:s21+s3], $0x80, $0x38;
	[tilespmem:$0x14400] =	vst v63  }
.LBB2_2:
0x71: {  	_ =	swait.ge [sflag:s11], $0x4000  }
0x72: {  	[sflag:s11] =	ssyncset.done $0x0  }
0x73: {  	[sflag:s11] =	ssyncadd.s32 $0xFFFFC000  }
0x74: {  	_ =	swait.ge [sflag:s24], $0x80  }
0x75: {  	[sflag:s24] =	ssyncset.done $0x0  }
0x76: {  	[sflag:s24] =	ssyncadd.s32 $0xFFFFFF80  }
0x77: {  	[tilespmem:s25], [sflag:$0x1] =	stream.indirect.gather [hbm4b:s2+s23], $0x80, s3, s23, $0xb8;
	[tilespmem:$0x14400] =	vst v63  }
0x78: {  	_ =	swait.ge [sflag:s12], $0x4000  }
0x79: {  	[sflag:s12] =	ssyncset.done $0x0  }
0x7a: {  	s19 =	sadd.s32 $0xFFFFF800, s17;
	[sflag:s12] =	ssyncadd.s32 $0xFFFFC000  }
0x7b: {  	[hbm4b:s19+s3] =	stream.linear.scatter [tilespmem:s0], [sflag:$0x8], $0x4000, $0x38;
	[tilespmem:$0x14400] =	vst v63  }
0x7c: {  	s21 =	sadd.s32 s18, s22  }
0x7d: {  	[tilespmem:s26], [sflag:$0xD] =	stream.linear.gather [hbm4b:s21+s3], $0x80, $0x38;
	[tilespmem:$0x14400] =	vst v63  }
0x7e: {  	_ =	swait.ge [sflag:s13], $0x4000  }
0x7f: {  	[sflag:s13] =	ssyncset.done $0x0  }
0x80: {  	[sflag:s13] =	ssyncadd.s32 $0xFFFFC000  }
0x81: {  	_ =	swait.ge [sflag:s28], $0x80  }
0x82: {  	[sflag:s28] =	ssyncset.done $0x0  }
0x83: {  	[sflag:s28] =	ssyncadd.s32 $0xFFFFFF80  }
0x84: {  	[tilespmem:s29], [sflag:$0x2] =	stream.indirect.gather [hbm4b:s2+s23], $0x80, s23, s23, $0xb8;
	[tilespmem:$0x14400] =	vst v63  }
0x85: {  	_ =	swait.ge [sflag:s14], $0x4000  }
0x86: {  	[sflag:s14] =	ssyncset.done $0x0  }
0x87: {  	s21 =	rddreg [dreg:$0x15];
	[sflag:s14] =	ssyncadd.s32 $0xFFFFC000  }
0x88: {  	[hbm4b:s17+s3] =	stream.linear.scatter [tilespmem:s6], [sflag:$0x9], $0x4000, $0x38;
	[tilespmem:$0x14400] =	vst v63  }
0x89: {  	s19 =	sadd.s32 s18, s21  }
0x8a: {  	[tilespmem:s30], [sflag:$0xE] =	stream.linear.gather [hbm4b:s19+s3], $0x80, $0x38;
	[tilespmem:$0x14400] =	vst v63  }
0x8b: {  	_ =	swait.ge [sflag:s15], $0x4000  }
0x8c: {  	[sflag:s15] =	ssyncset.done $0x0  }
0x8d: {  	[sflag:s15] =	ssyncadd.s32 $0xFFFFC000  }
0x8e: {  	_ =	swait.ge [sflag:s31], $0x80  }
0x8f: {  	[sflag:s31] =	ssyncset.done $0x0  }
0x90: {  	[sflag:s31] =	ssyncadd.s32 $0xFFFFFF80  }
0x91: {  	[tilespmem:s0], [sflag:$0x3] =	stream.indirect.gather [hbm4b:s2+s23], $0x80, s26, s23, $0xb8;
	[tilespmem:$0x14400] =	vst v63  }
0x92: {  	_ =	swait.ge [sflag:s16], $0x4000  }
0x93: {  	[sflag:s16] =	ssyncset.done $0x0  }
0x94: {  	s21 =	sadd.s32 $0x800, s17;
	[sflag:s16] =	ssyncadd.s32 $0xFFFFC000  }
0x95: {  	[hbm4b:s21+s3] =	stream.linear.scatter [tilespmem:s9], [sflag:$0xA], $0x4000, $0x38;
	[tilespmem:$0x14400] =	vst v63  }
0x96: {  	s21 =	rddreg [dreg:$0x13]  }
0x97: {  	s19 =	sadd.s32 s18, s21  }
0x98: {  	[tilespmem:s1], [sflag:$0xF] =	stream.linear.gather [hbm4b:s19+s3], $0x80, $0x38;
	[tilespmem:$0x14400] =	vst v63  }
0x99: {  	_ =	swait.ge [sflag:s4], $0x4000  }
0x9a: {  	[sflag:s4] =	ssyncset.done $0x0  }
0x9b: {  	[sflag:s4] =	ssyncadd.s32 $0xFFFFC000  }
0x9c: {  	_ =	swait.ge [sflag:s5], $0x80  }
0x9d: {  	[sflag:s5] =	ssyncset.done $0x0  }
0x9e: {  	[sflag:s5] =	ssyncadd.s32 $0xFFFFFF80  }
0x9f: {  	[tilespmem:s6], [sflag:$0x4] =	stream.indirect.gather [hbm4b:s2+s23], $0x80, s30, s23, $0xb8;
	[tilespmem:$0x14400] =	vst v63  }
0xa0: {  	_ =	swait.ge [sflag:s7], $0x4000  }
0xa1: {  	p0 =	seq.s32 s18, $0xBE0;
	[sflag:s7] =	ssyncset.done $0x0  }
0xa2: {  	s21 =	sadd.s32 $0x1000, s17;
	s19 =	rddreg [dreg:$0x12];
	[sflag:s7] =	ssyncadd.s32 $0xFFFFC000  }
0xa3: {  	[hbm4b:s21+s3] =	stream.linear.scatter [tilespmem:s25], [sflag:$0x6], $0x4000, $0x38;
	[tilespmem:$0x14400] =	vst v63  }
0xa4: {  	s19 =	sadd.s32 @!p0 s18, s19;
	s21 =	simm.s32 @!p0 $0x0  }
0xa5: {  	[tilespmem:s21], [sflag:$0xB] =	stream.linear.gather @!p0 [hbm4b:s19+s21], $0x80, $0x38;
	[tilespmem:$0x14400] =	vst v63  }
0xa6: {  	_ =	swait.ge [sflag:s20], $0x4000  }
0xa7: {  	[sflag:s20] =	ssyncset.done $0x0  }
0xa8: {  	[sflag:s20] =	ssyncadd.s32 $0xFFFFC000  }
0xa9: {  	_ =	swait.ge [sflag:s8], $0x80  }
0xaa: {  	[sflag:s8] =	ssyncset.done $0x0  }
0xab: {  	[sflag:s8] =	ssyncadd.s32 $0xFFFFFF80  }
0xac: {  	[tilespmem:s9], [sflag:$0x5] =	stream.indirect.gather [hbm4b:s2+s23], $0x80, s1, s23, $0xb8;
	[tilespmem:$0x14400] =	vst v63  }
.Ltmp2:
0xad: {  	_ = 	snop;
	(pc) =	sbr.rel @p0 .LBB2_4-.Ltmp2, $4  }
0xae: {  	_ =	swait.ge [sflag:s10], $0x4000  }
0xaf: {  	[sflag:s10] =	ssyncset.done $0x0  }
0xb0: {  	s21 =	sadd.s32 $0x1800, s17;
	[sflag:s10] =	ssyncadd.s32 $0xFFFFC000  }
0xb1: {  	[hbm4b:s21+s3] =	stream.linear.scatter [tilespmem:s29], [sflag:$0x7], $0x4000, $0x38;
	[tilespmem:$0x14400] =	vst v63  }
.Ltmp3:
0xb2: {  	(pc) =	sbr.rel .LBB2_2-.Ltmp3, $4  }
0xb3: {  	_ = 	snop  }
0xb4: {  	s19 =	rddreg [dreg:$0x11]  }
0xb5: {  	s17 =	sadd.s32 $0x2800, s17;
	s19 =	sadd.s32 s18, s19;
	s18 =	sadd.s32 $0x50, s18  }
0xb6: {  	[tilespmem:s23], [sflag:$0xC] =	stream.linear.gather [hbm4b:s19+s3], $0x80, $0x38;
	[tilespmem:$0x14400] =	vst v63  }
.LBB2_5:
0xb7: {  	_ =	sfence.sel $0x180000  }
0xb8: {  	[bflag:$0x0] =	sbarrier.arrive $0xFFFF  }
0xb9: {  	_ =	strace $0x90000047  }
0xba: {  	s0 =	stileid.u32;
	[bflag:$0x2] =	sbarrier.arrive $0xFFFF  }
0xbb: {  	p0 =	sne.s32 s0, $0x0;
	s0 =	rddreg [dreg:$0x3]  }
0xbc: {  	s0 =	sadd.s32 @!p0 $0x100000, s0  }
0xbd: {  	[sflag:s0] =	ssyncadd.tile.s32 @!p0 $0x1;
	_ =	shalt  }
.Lfunc_end2:
_tile_overlayer_lowered:
.L_overlay_start_2:
0xbe: {  	(tag) =	ssettag $0x2  }
0xbf: {  	s0 =	rddreg [dreg:$0x0];
	s2 =	stileid.u32  }
0xc0: {  	s1 =	rddreg [dreg:$0x1];
	p0 =	sne.s32 s2, $0x0  }
0xc1: {  	s3 =	rddreg [dreg:$0x2];
	[bflag:$0x3] =	sbarrier.arrive $0xFFFF;
	s2 =	simm.s32 @!p0 $0x1C10  }
0xc2: {  	[timem:s3], [sflag:s2] =	dma.local @!p0 [hbm:s0], s1  }
0xc3: {  	s0 =	simm.s32 @!p0 $0x10  }
0xc4: {  	_ =	swait.ge @!p0 [sflag:s0], s1  }
0xc5: {  	s1 =	ssub.s32 @!p0 $0x0, s1;
	[sflag:s0] =	ssyncset.done @!p0 $0x0  }
0xc6: {  	[sflag:s0] =	ssyncadd.s32 @!p0 s1  }
0xc7: {  	[bflag:$0x3] =	sbarrier.arrive $0xFFFF  }
0xc8: {  	_ =	shalt  }

</sc_bundles>
